<compile_context>
chip_gen: v7x
topology: tpu7x:2x2x1
jax: 0.10.2.dev20260603
libtpu: 0.0.44.dev20260713+nightly
codegen_flags: <defaults>
</compile_context>

<pallas_src>
import functools

import jax
import jax.numpy as jnp
from jax import lax
from jax.experimental import pallas as pl
from jax.experimental.pallas import tpu as pltpu
from jax.experimental.pallas import tpu_sc as plsc

B = 16384
D = 64
L = 16
NC = 2
NS = 16
NW = NC * NS
BPW = B // NW
WAVE = 256
NWAVE = BPW // WAVE
WCHUNK = WAVE // L

_mesh = plsc.VectorSubcoreMesh(
    core_axis_name="c", subcore_axis_name="s", num_cores=NC, num_subcores=NS
)


@functools.partial(
    pl.kernel,
    out_type=jax.ShapeDtypeStruct((B,), jnp.float32),
    mesh=_mesh,
    compiler_params=pltpu.CompilerParams(
        needs_layout_passes=False, use_tc_tiling_on_sc=True
    ),
    scratch_types=[
        pltpu.VMEM((BPW,), jnp.int32),
        pltpu.VMEM((BPW,), jnp.int32),
        pltpu.VMEM((WAVE, D), jnp.float32),
        pltpu.VMEM((WAVE, D), jnp.float32),
        pltpu.VMEM((BPW * L,), jnp.float32),
        pltpu.VMEM((BPW,), jnp.float32),
        pltpu.SemaphoreType.DMA,
        pltpu.SemaphoreType.DMA,
    ],
)
def _line_first_sc(i_hbm, j_hbm, emb_hbm, out_hbm,
                   idxv_i, idxv_j, rows_i, rows_j, q_v, out_v, sem_a, sem_b):
    wid = lax.axis_index("s") * NC + lax.axis_index("c")
    base = wid * BPW

    pltpu.sync_copy(i_hbm.at[pl.ds(base, BPW)], idxv_i)
    pltpu.sync_copy(j_hbm.at[pl.ds(base, BPW)], idxv_j)

    lanes = lax.iota(jnp.int32, L)
    zeros = jnp.zeros((L,), jnp.int32)

    def wave_body(w, carry):
        wb = w * WAVE

        def fire_body(c, carry2):
            vec_i = idxv_i[pl.ds(wb + c * L, L)]
            vec_j = idxv_j[pl.ds(wb + c * L, L)]
            for k in range(L):
                ri = lax.reduce_sum(
                    jnp.where(lanes == k, vec_i, zeros), axes=(0,))
                pltpu.async_copy(emb_hbm.at[ri], rows_i.at[c * L + k], sem_a)
                rj = lax.reduce_sum(
                    jnp.where(lanes == k, vec_j, zeros), axes=(0,))
                pltpu.async_copy(emb_hbm.at[rj], rows_j.at[c * L + k], sem_b)
            return carry2

        lax.fori_loop(0, WCHUNK, fire_body, 0)

        pltpu.make_async_copy(emb_hbm.at[pl.ds(0, WAVE)], rows_i, sem_a).wait()
        pltpu.make_async_copy(emb_hbm.at[pl.ds(0, WAVE)], rows_j, sem_b).wait()

        def compute_body(b, carry2):
            acc = rows_i[b, pl.ds(0, L)] * rows_j[b, pl.ds(0, L)]
            for cc in range(1, D // L):
                acc = acc + (rows_i[b, pl.ds(cc * L, L)]
                             * rows_j[b, pl.ds(cc * L, L)])
            q_v[pl.ds((wb + b) * L, L)] = acc
            return carry2

        lax.fori_loop(0, WAVE, compute_body, 0)
        return carry

    lax.fori_loop(0, NWAVE, wave_body, 0)

    def grp_body(g, carry):
        gbase = g * (L * L)
        acc = plsc.load_gather(q_v, [gbase + lanes * L])
        for d in range(1, L):
            acc = acc + plsc.load_gather(q_v, [gbase + lanes * L + d])
        out_v[pl.ds(g * L, L)] = acc
        return carry

    lax.fori_loop(0, BPW // L, grp_body, 0)

    pltpu.sync_copy(out_v, out_hbm.at[pl.ds(base, BPW)])


def kernel(i, j, node_emb):
    return _line_first_sc(i, j, node_emb)

# --- scband reference (transcript-rebuilt; emitter-appended) ---
"""Pipeline reference for scband-line-first-17248588661266 (READ-ONLY COPY).

The authoritative reference and input builder live on the scoring server;
editing this copy changes nothing except your own understanding.
"""

import jax, jax.numpy as jnp
import numpy as np

NUM_NODES = 1000000
EMBED_DIM = 64
BATCH = 16384

def setup_inputs(seed: int = 0) -> dict:
    key = jax.random.key(seed)
    k1, k2, k3 = jax.random.split(key, 3)
    i = jax.random.randint(k1, (BATCH,), 0, NUM_NODES, dtype=jnp.int64) if jax.config.jax_enable_x64 else jax.random.randint(k1, (BATCH,), 0, NUM_NODES, dtype=jnp.int32)
    j = jax.random.randint(k2, (BATCH,), 0, NUM_NODES, dtype=jnp.int32)
    i = i.astype(jnp.int32)
    node_emb = jax.random.normal(k3, (NUM_NODES, EMBED_DIM), dtype=jnp.float32)
    return {"i": i, "j": j, "node_emb": node_emb}

def reference(i, j, node_emb):
    vi = jnp.take(node_emb, i, axis=0)
    vj = jnp.take(node_emb, j, axis=0)
    return (vi * vj).sum(axis=-1)

if __name__ == "__main__":
    import jax
    _d = setup_inputs()
    print(jax.jit(kernel)(*tuple(_d.values())))

</pallas_src>

<mosaic_0001>
#map = affine_map<(d0, d1) -> (0)>
#map1 = affine_map<(d0, d1) -> (0, 0)>
module attributes {stable_mosaic.version = 14 : i64} {
  func.func @_line_first_sc(%arg0: i32, %arg1: i32, %arg2: memref<16384xi32, #tpu.memory_space<hbm>>, %arg3: memref<16384xi32, #tpu.memory_space<hbm>>, %arg4: memref<1000000x64xf32, #tpu.memory_space<hbm>>, %arg5: memref<16384xf32, #tpu.memory_space<hbm>>, %arg6: memref<512xi32, #tpu.memory_space<vmem>>, %arg7: memref<512xi32, #tpu.memory_space<vmem>>, %arg8: memref<256x64xf32, #tpu.memory_space<vmem>>, %arg9: memref<256x64xf32, #tpu.memory_space<vmem>>, %arg10: memref<8192xf32, #tpu.memory_space<vmem>>, %arg11: memref<512xf32, #tpu.memory_space<vmem>>, %arg12: memref<!tpu.dma_semaphore, #tpu.memory_space<semaphore_mem>>, %arg13: memref<!tpu.dma_semaphore, #tpu.memory_space<semaphore_mem>>) attributes {dimension_semantics = [#tpu.dimension_semantics<core_parallel>, #tpu.dimension_semantics<subcore_parallel>], iteration_bounds = array<i64: 2, 16>, scalar_prefetch = 0 : i64, scratch_operands = 8 : i64, tpu.core_type = #tpu.core_type<sc_vector_subcore>, window_params = [{transform_indices = #map}, {transform_indices = #map}, {transform_indices = #map1}, {transform_indices = #map}]} {
    %mul3A = arith.constant 2 : i32
    %mul3A_0 = arith.muli %arg1, %mul3A : i32
    %add3A = arith.addi %mul3A_0, %arg0 : i32
    %mul3A_1 = arith.constant 512 : i32
    %mul3A_2 = arith.muli %add3A, %mul3A_1 : i32
    "tpu.region"() ({
      %run_scoped3A = tpu.sem_alloc : memref<!tpu.dma_semaphore, #tpu.memory_space<semaphore_mem>>
      %dma_start3A = tpu.memref_slice %arg2[%mul3A_2] : memref<16384xi32, #tpu.memory_space<hbm>> -> memref<512xi32, #tpu.memory_space<hbm>>
      %dma_start3A_15 = tpu.memref_slice %arg2[%mul3A_2] : memref<16384xi32, #tpu.memory_space<hbm>> -> memref<512xi32, #tpu.memory_space<hbm>>
      tpu.enqueue_dma source(%dma_start3A_15 : memref<512xi32, #tpu.memory_space<hbm>>) target(%arg6 : memref<512xi32, #tpu.memory_space<vmem>>) target_semaphore(%run_scoped3A : memref<!tpu.dma_semaphore, #tpu.memory_space<semaphore_mem>>)
      %dma_wait3A = tpu.memref_slice %arg2[%mul3A_2] : memref<16384xi32, #tpu.memory_space<hbm>> -> memref<512xi32, #tpu.memory_space<hbm>>
      %dma_wait3A_16 = tpu.memref_slice %arg2[%mul3A_2] : memref<16384xi32, #tpu.memory_space<hbm>> -> memref<512xi32, #tpu.memory_space<hbm>>
      tpu.wait_dma2 semaphore(%run_scoped3A : memref<!tpu.dma_semaphore, #tpu.memory_space<semaphore_mem>>) src(%dma_wait3A_16 : memref<512xi32, #tpu.memory_space<hbm>>) dst(%arg6 : memref<512xi32, #tpu.memory_space<vmem>>)
      tpu.yield
    }) : () -> ()
    "tpu.region"() ({
      %run_scoped3A = tpu.sem_alloc : memref<!tpu.dma_semaphore, #tpu.memory_space<semaphore_mem>>
      %dma_start3A = tpu.memref_slice %arg3[%mul3A_2] : memref<16384xi32, #tpu.memory_space<hbm>> -> memref<512xi32, #tpu.memory_space<hbm>>
      %dma_start3A_15 = tpu.memref_slice %arg3[%mul3A_2] : memref<16384xi32, #tpu.memory_space<hbm>> -> memref<512xi32, #tpu.memory_space<hbm>>
      tpu.enqueue_dma source(%dma_start3A_15 : memref<512xi32, #tpu.memory_space<hbm>>) target(%arg7 : memref<512xi32, #tpu.memory_space<vmem>>) target_semaphore(%run_scoped3A : memref<!tpu.dma_semaphore, #tpu.memory_space<semaphore_mem>>)
      %dma_wait3A = tpu.memref_slice %arg3[%mul3A_2] : memref<16384xi32, #tpu.memory_space<hbm>> -> memref<512xi32, #tpu.memory_space<hbm>>
      %dma_wait3A_16 = tpu.memref_slice %arg3[%mul3A_2] : memref<16384xi32, #tpu.memory_space<hbm>> -> memref<512xi32, #tpu.memory_space<hbm>>
      tpu.wait_dma2 semaphore(%run_scoped3A : memref<!tpu.dma_semaphore, #tpu.memory_space<semaphore_mem>>) src(%dma_wait3A_16 : memref<512xi32, #tpu.memory_space<hbm>>) dst(%arg7 : memref<512xi32, #tpu.memory_space<vmem>>)
      tpu.yield
    }) : () -> ()
    %iota3A = tpu.iota {dimensions = array<i32: 0>} : vector<16xi32>
    %broadcast_in_dim3A = arith.constant 0 : i32
    %broadcast_in_dim3A_3 = vector.broadcast %broadcast_in_dim3A : i32 to vector<16xi32>
    %scan3A = arith.constant 0 : i32
    %scan3A_4 = arith.constant 0 : i32
    %scan3A_5 = arith.constant 2 : i32
    %scan3A_6 = arith.addi %scan3A_4, %scan3A_5 : i32
    %scan3A_7 = arith.constant 1 : i32
    scf.for %scan3A_15 = %scan3A_4 to %scan3A_6 step %scan3A_7  : i32 {
      %mul3A_16 = arith.constant 256 : i32
      %mul3A_17 = arith.muli %scan3A_15, %mul3A_16 : i32
      %scan3A_18 = arith.constant 0 : i32
      %scan3A_19 = arith.constant 0 : i32
      %scan3A_20 = arith.constant 16 : i32
      %scan3A_21 = arith.addi %scan3A_19, %scan3A_20 : i32
      %scan3A_22 = arith.constant 1 : i32
      scf.for %scan3A_41 = %scan3A_19 to %scan3A_21 step %scan3A_22  : i32 {
        %mul3A_42 = arith.constant 16 : i32
        %mul3A_43 = arith.muli %scan3A_41, %mul3A_42 : i32
        %add3A_44 = arith.addi %mul3A_17, %mul3A_43 : i32
        %get3A = arith.index_cast %add3A_44 : i32 to index
        %get3A_45 = tpu.vector_load %arg6[%get3A] {strides = array<i32>} : memref<512xi32, #tpu.memory_space<vmem>>, vector<16xi32>,
        %mul3A_46 = arith.constant 16 : i32
        %mul3A_47 = arith.muli %scan3A_41, %mul3A_46 : i32
        %add3A_48 = arith.addi %mul3A_17, %mul3A_47 : i32
        %get3A_49 = arith.index_cast %add3A_48 : i32 to index
        %get3A_50 = tpu.vector_load %arg7[%get3A_49] {strides = array<i32>} : memref<512xi32, #tpu.memory_space<vmem>>, vector<16xi32>,
        %eq3A = arith.constant 0 : i32
        %eq3A_51 = vector.broadcast %eq3A : i32 to vector<16xi32>
        %eq3A_52 = arith.cmpi eq, %iota3A, %eq3A_51 : vector<16xi32>
        %select_n3A = arith.select %eq3A_52, %get3A_45, %broadcast_in_dim3A_3 : vector<16xi1>, vector<16xi32>
        %reduce_sum3A = arith.constant true
        %reduce_sum3A_53 = vector.broadcast %reduce_sum3A : i1 to vector<16xi1>
        %reduce_sum3A_54 = tpu.scan <sum>, %select_n3A masked %reduce_sum3A_53 : vector<16xi32>, vector<16xi1> -> vector<16xi32>
        %reduce_sum3A_55 = vector.extract %reduce_sum3A_54[15] : i32 from vector<16xi32>
        %mul3A_56 = arith.constant 16 : i32
        %mul3A_57 = arith.muli %scan3A_41, %mul3A_56 : i32
        %add3A_58 = arith.constant 0 : i32
        %add3A_59 = arith.addi %mul3A_57, %add3A_58 : i32
        %dma_start3A = arith.constant 0 : i32
        %dma_start3A_60 = tpu.memref_slice %arg8[%add3A_59, %dma_start3A] : memref<256x64xf32, #tpu.memory_space<vmem>> -> memref<1x64xf32, #tpu.memory_space<vmem>>
        %dma_start3A_61 = tpu.memref_squeeze %dma_start3A_60 : memref<1x64xf32, #tpu.memory_space<vmem>> -> memref<64xf32, #tpu.memory_space<vmem>>
        %dma_start3A_62 = arith.constant 0 : i32
        %dma_start3A_63 = tpu.memref_slice %arg4[%reduce_sum3A_55, %dma_start3A_62] : memref<1000000x64xf32, #tpu.memory_space<hbm>> -> memref<1x64xf32, #tpu.memory_space<hbm>>
        %dma_start3A_64 = tpu.memref_squeeze %dma_start3A_63 : memref<1x64xf32, #tpu.memory_space<hbm>> -> memref<64xf32, #tpu.memory_space<hbm>>
        %dma_start3A_65 = arith.constant 0 : i32
        %dma_start3A_66 = tpu.memref_slice %arg8[%add3A_59, %dma_start3A_65] : memref<256x64xf32, #tpu.memory_space<vmem>> -> memref<1x64xf32, #tpu.memory_space<vmem>>
        %dma_start3A_67 = tpu.memref_squeeze %dma_start3A_66 : memref<1x64xf32, #tpu.memory_space<vmem>> -> memref<64xf32, #tpu.memory_space<vmem>>
        %dma_start3A_68 = arith.constant 0 : i32
        %dma_start3A_69 = tpu.memref_slice %arg4[%reduce_sum3A_55, %dma_start3A_68] : memref<1000000x64xf32, #tpu.memory_space<hbm>> -> memref<1x64xf32, #tpu.memory_space<hbm>>
        %dma_start3A_70 = tpu.memref_squeeze %dma_start3A_69 : memref<1x64xf32, #tpu.memory_space<hbm>> -> memref<64xf32, #tpu.memory_space<hbm>>
        tpu.enqueue_dma source(%dma_start3A_70 : memref<64xf32, #tpu.memory_space<hbm>>) target(%dma_start3A_67 : memref<64xf32, #tpu.memory_space<vmem>>) target_semaphore(%arg12 : memref<!tpu.dma_semaphore, #tpu.memory_space<semaphore_mem>>)
        %eq3A_71 = arith.constant 0 : i32
        %eq3A_72 = vector.broadcast %eq3A_71 : i32 to vector<16xi32>
        %eq3A_73 = arith.cmpi eq, %iota3A, %eq3A_72 : vector<16xi32>
        %select_n3A_74 = arith.select %eq3A_73, %get3A_50, %broadcast_in_dim3A_3 : vector<16xi1>, vector<16xi32>
        %reduce_sum3A_75 = arith.constant true
        %reduce_sum3A_76 = vector.broadcast %reduce_sum3A_75 : i1 to vector<16xi1>
        %reduce_sum3A_77 = tpu.scan <sum>, %select_n3A_74 masked %reduce_sum3A_76 : vector<16xi32>, vector<16xi1> -> vector<16xi32>
        %reduce_sum3A_78 = vector.extract %reduce_sum3A_77[15] : i32 from vector<16xi32>
        %mul3A_79 = arith.constant 16 : i32
        %mul3A_80 = arith.muli %scan3A_41, %mul3A_79 : i32
        %add3A_81 = arith.constant 0 : i32
        %add3A_82 = arith.addi %mul3A_80, %add3A_81 : i32
        %dma_start3A_83 = arith.constant 0 : i32
        %dma_start3A_84 = tpu.memref_slice %arg9[%add3A_82, %dma_start3A_83] : memref<256x64xf32, #tpu.memory_space<vmem>> -> memref<1x64xf32, #tpu.memory_space<vmem>>
        %dma_start3A_85 = tpu.memref_squeeze %dma_start3A_84 : memref<1x64xf32, #tpu.memory_space<vmem>> -> memref<64xf32, #tpu.memory_space<vmem>>
        %dma_start3A_86 = arith.constant 0 : i32
        %dma_start3A_87 = tpu.memref_slice %arg4[%reduce_sum3A_78, %dma_start3A_86] : memref<1000000x64xf32, #tpu.memory_space<hbm>> -> memref<1x64xf32, #tpu.memory_space<hbm>>
        %dma_start3A_88 = tpu.memref_squeeze %dma_start3A_87 : memref<1x64xf32, #tpu.memory_space<hbm>> -> memref<64xf32, #tpu.memory_space<hbm>>
        %dma_start3A_89 = arith.constant 0 : i32
        %dma_start3A_90 = tpu.memref_slice %arg9[%add3A_82, %dma_start3A_89] : memref<256x64xf32, #tpu.memory_space<vmem>> -> memref<1x64xf32, #tpu.memory_space<vmem>>
        %dma_start3A_91 = tpu.memref_squeeze %dma_start3A_90 : memref<1x64xf32, #tpu.memory_space<vmem>> -> memref<64xf32, #tpu.memory_space<vmem>>
        %dma_start3A_92 = arith.constant 0 : i32
        %dma_start3A_93 = tpu.memref_slice %arg4[%reduce_sum3A_78, %dma_start3A_92] : memref<1000000x64xf32, #tpu.memory_space<hbm>> -> memref<1x64xf32, #tpu.memory_space<hbm>>
        %dma_start3A_94 = tpu.memref_squeeze %dma_start3A_93 : memref<1x64xf32, #tpu.memory_space<hbm>> -> memref<64xf32, #tpu.memory_space<hbm>>
        tpu.enqueue_dma source(%dma_start3A_94 : memref<64xf32, #tpu.memory_space<hbm>>) target(%dma_start3A_91 : memref<64xf32, #tpu.memory_space<vmem>>) target_semaphore(%arg13 : memref<!tpu.dma_semaphore, #tpu.memory_space<semaphore_mem>>)
        %eq3A_95 = arith.constant 1 : i32
        %eq3A_96 = vector.broadcast %eq3A_95 : i32 to vector<16xi32>
        %eq3A_97 = arith.cmpi eq, %iota3A, %eq3A_96 : vector<16xi32>
        %select_n3A_98 = arith.select %eq3A_97, %get3A_45, %broadcast_in_dim3A_3 : vector<16xi1>, vector<16xi32>
        %reduce_sum3A_99 = arith.constant true
        %reduce_sum3A_100 = vector.broadcast %reduce_sum3A_99 : i1 to vector<16xi1>
        %reduce_sum3A_101 = tpu.scan <sum>, %select_n3A_98 masked %reduce_sum3A_100 : vector<16xi32>, vector<16xi1> -> vector<16xi32>
        %reduce_sum3A_102 = vector.extract %reduce_sum3A_101[15] : i32 from vector<16xi32>
        %mul3A_103 = arith.constant 16 : i32
        %mul3A_104 = arith.muli %scan3A_41, %mul3A_103 : i32
        %add3A_105 = arith.constant 1 : i32
        %add3A_106 = arith.addi %mul3A_104, %add3A_105 : i32
        %dma_start3A_107 = arith.constant 0 : i32
        %dma_start3A_108 = tpu.memref_slice %arg8[%add3A_106, %dma_start3A_107] : memref<256x64xf32, #tpu.memory_space<vmem>> -> memref<1x64xf32, #tpu.memory_space<vmem>>
        %dma_start3A_109 = tpu.memref_squeeze %dma_start3A_108 : memref<1x64xf32, #tpu.memory_space<vmem>> -> memref<64xf32, #tpu.memory_space<vmem>>
        %dma_start3A_110 = arith.constant 0 : i32
        %dma_start3A_111 = tpu.memref_slice %arg4[%reduce_sum3A_102, %dma_start3A_110] : memref<1000000x64xf32, #tpu.memory_space<hbm>> -> memref<1x64xf32, #tpu.memory_space<hbm>>
        %dma_start3A_112 = tpu.memref_squeeze %dma_start3A_111 : memref<1x64xf32, #tpu.memory_space<hbm>> -> memref<64xf32, #tpu.memory_space<hbm>>
        %dma_start3A_113 = arith.constant 0 : i32
        %dma_start3A_114 = tpu.memref_slice %arg8[%add3A_106, %dma_start3A_113] : memref<256x64xf32, #tpu.memory_space<vmem>> -> memref<1x64xf32, #tpu.memory_space<vmem>>
        %dma_start3A_115 = tpu.memref_squeeze %dma_start3A_114 : memref<1x64xf32, #tpu.memory_space<vmem>> -> memref<64xf32, #tpu.memory_space<vmem>>
        %dma_start3A_116 = arith.constant 0 : i32
        %dma_start3A_117 = tpu.memref_slice %arg4[%reduce_sum3A_102, %dma_start3A_116] : memref<1000000x64xf32, #tpu.memory_space<hbm>> -> memref<1x64xf32, #tpu.memory_space<hbm>>
        %dma_start3A_118 = tpu.memref_squeeze %dma_start3A_117 : memref<1x64xf32, #tpu.memory_space<hbm>> -> memref<64xf32, #tpu.memory_space<hbm>>
        tpu.enqueue_dma source(%dma_start3A_118 : memref<64xf32, #tpu.memory_space<hbm>>) target(%dma_start3A_115 : memref<64xf32, #tpu.memory_space<vmem>>) target_semaphore(%arg12 : memref<!tpu.dma_semaphore, #tpu.memory_space<semaphore_mem>>)
        %eq3A_119 = arith.constant 1 : i32
        %eq3A_120 = vector.broadcast %eq3A_119 : i32 to vector<16xi32>
        %eq3A_121 = arith.cmpi eq, %iota3A, %eq3A_120 : vector<16xi32>
        %select_n3A_122 = arith.select %eq3A_121, %get3A_50, %broadcast_in_dim3A_3 : vector<16xi1>, vector<16xi32>
        %reduce_sum3A_123 = arith.constant true
        %reduce_sum3A_124 = vector.broadcast %reduce_sum3A_123 : i1 to vector<16xi1>
        %reduce_sum3A_125 = tpu.scan <sum>, %select_n3A_122 masked %reduce_sum3A_124 : vector<16xi32>, vector<16xi1> -> vector<16xi32>
        %reduce_sum3A_126 = vector.extract %reduce_sum3A_125[15] : i32 from vector<16xi32>
        %mul3A_127 = arith.constant 16 : i32
        %mul3A_128 = arith.muli %scan3A_41, %mul3A_127 : i32
        %add3A_129 = arith.constant 1 : i32
        %add3A_130 = arith.addi %mul3A_128, %add3A_129 : i32
        %dma_start3A_131 = arith.constant 0 : i32
        %dma_start3A_132 = tpu.memref_slice %arg9[%add3A_130, %dma_start3A_131] : memref<256x64xf32, #tpu.memory_space<vmem>> -> memref<1x64xf32, #tpu.memory_space<vmem>>
        %dma_start3A_133 = tpu.memref_squeeze %dma_start3A_132 : memref<1x64xf32, #tpu.memory_space<vmem>> -> memref<64xf32, #tpu.memory_space<vmem>>
        %dma_start3A_134 = arith.constant 0 : i32
        %dma_start3A_135 = tpu.memref_slice %arg4[%reduce_sum3A_126, %dma_start3A_134] : memref<1000000x64xf32, #tpu.memory_space<hbm>> -> memref<1x64xf32, #tpu.memory_space<hbm>>
        %dma_start3A_136 = tpu.memref_squeeze %dma_start3A_135 : memref<1x64xf32, #tpu.memory_space<hbm>> -> memref<64xf32, #tpu.memory_space<hbm>>
        %dma_start3A_137 = arith.constant 0 : i32
        %dma_start3A_138 = tpu.memref_slice %arg9[%add3A_130, %dma_start3A_137] : memref<256x64xf32, #tpu.memory_space<vmem>> -> memref<1x64xf32, #tpu.memory_space<vmem>>
        %dma_start3A_139 = tpu.memref_squeeze %dma_start3A_138 : memref<1x64xf32, #tpu.memory_space<vmem>> -> memref<64xf32, #tpu.memory_space<vmem>>
        %dma_start3A_140 = arith.constant 0 : i32
        %dma_start3A_141 = tpu.memref_slice %arg4[%reduce_sum3A_126, %dma_start3A_140] : memref<1000000x64xf32, #tpu.memory_space<hbm>> -> memref<1x64xf32, #tpu.memory_space<hbm>>
        %dma_start3A_142 = tpu.memref_squeeze %dma_start3A_141 : memref<1x64xf32, #tpu.memory_space<hbm>> -> memref<64xf32, #tpu.memory_space<hbm>>
        tpu.enqueue_dma source(%dma_start3A_142 : memref<64xf32, #tpu.memory_space<hbm>>) target(%dma_start3A_139 : memref<64xf32, #tpu.memory_space<vmem>>) target_semaphore(%arg13 : memref<!tpu.dma_semaphore, #tpu.memory_space<semaphore_mem>>)
        %eq3A_143 = arith.constant 2 : i32
        %eq3A_144 = vector.broadcast %eq3A_143 : i32 to vector<16xi32>
        %eq3A_145 = arith.cmpi eq, %iota3A, %eq3A_144 : vector<16xi32>
        %select_n3A_146 = arith.select %eq3A_145, %get3A_45, %broadcast_in_dim3A_3 : vector<16xi1>, vector<16xi32>
        %reduce_sum3A_147 = arith.constant true
        %reduce_sum3A_148 = vector.broadcast %reduce_sum3A_147 : i1 to vector<16xi1>
        %reduce_sum3A_149 = tpu.scan <sum>, %select_n3A_146 masked %reduce_sum3A_148 : vector<16xi32>, vector<16xi1> -> vector<16xi32>
        %reduce_sum3A_150 = vector.extract %reduce_sum3A_149[15] : i32 from vector<16xi32>
        %mul3A_151 = arith.constant 16 : i32
        %mul3A_152 = arith.muli %scan3A_41, %mul3A_151 : i32
        %add3A_153 = arith.constant 2 : i32
        %add3A_154 = arith.addi %mul3A_152, %add3A_153 : i32
        %dma_start3A_155 = arith.constant 0 : i32
        %dma_start3A_156 = tpu.memref_slice %arg8[%add3A_154, %dma_start3A_155] : memref<256x64xf32, #tpu.memory_space<vmem>> -> memref<1x64xf32, #tpu.memory_space<vmem>>
        %dma_start3A_157 = tpu.memref_squeeze %dma_start3A_156 : memref<1x64xf32, #tpu.memory_space<vmem>> -> memref<64xf32, #tpu.memory_space<vmem>>
        %dma_start3A_158 = arith.constant 0 : i32
        %dma_start3A_159 = tpu.memref_slice %arg4[%reduce_sum3A_150, %dma_start3A_158] : memref<1000000x64xf32, #tpu.memory_space<hbm>> -> memref<1x64xf32, #tpu.memory_space<hbm>>
        %dma_start3A_160 = tpu.memref_squeeze %dma_start3A_159 : memref<1x64xf32, #tpu.memory_space<hbm>> -> memref<64xf32, #tpu.memory_space<hbm>>
        %dma_start3A_161 = arith.constant 0 : i32
        %dma_start3A_162 = tpu.memref_slice %arg8[%add3A_154, %dma_start3A_161] : memref<256x64xf32, #tpu.memory_space<vmem>> -> memref<1x64xf32, #tpu.memory_space<vmem>>
        %dma_start3A_163 = tpu.memref_squeeze %dma_start3A_162 : memref<1x64xf32, #tpu.memory_space<vmem>> -> memref<64xf32, #tpu.memory_space<vmem>>
        %dma_start3A_164 = arith.constant 0 : i32
        %dma_start3A_165 = tpu.memref_slice %arg4[%reduce_sum3A_150, %dma_start3A_164] : memref<1000000x64xf32, #tpu.memory_space<hbm>> -> memref<1x64xf32, #tpu.memory_space<hbm>>
        %dma_start3A_166 = tpu.memref_squeeze %dma_start3A_165 : memref<1x64xf32, #tpu.memory_space<hbm>> -> memref<64xf32, #tpu.memory_space<hbm>>
        tpu.enqueue_dma source(%dma_start3A_166 : memref<64xf32, #tpu.memory_space<hbm>>) target(%dma_start3A_163 : memref<64xf32, #tpu.memory_space<vmem>>) target_semaphore(%arg12 : memref<!tpu.dma_semaphore, #tpu.memory_space<semaphore_mem>>)
        %eq3A_167 = arith.constant 2 : i32
        %eq3A_168 = vector.broadcast %eq3A_167 : i32 to vector<16xi32>
        %eq3A_169 = arith.cmpi eq, %iota3A, %eq3A_168 : vector<16xi32>
        %select_n3A_170 = arith.select %eq3A_169, %get3A_50, %broadcast_in_dim3A_3 : vector<16xi1>, vector<16xi32>
        %reduce_sum3A_171 = arith.constant true
        %reduce_sum3A_172 = vector.broadcast %reduce_sum3A_171 : i1 to vector<16xi1>
        %reduce_sum3A_173 = tpu.scan <sum>, %select_n3A_170 masked %reduce_sum3A_172 : vector<16xi32>, vector<16xi1> -> vector<16xi32>
        %reduce_sum3A_174 = vector.extract %reduce_sum3A_173[15] : i32 from vector<16xi32>
        %mul3A_175 = arith.constant 16 : i32
        %mul3A_176 = arith.muli %scan3A_41, %mul3A_175 : i32
        %add3A_177 = arith.constant 2 : i32
        %add3A_178 = arith.addi %mul3A_176, %add3A_177 : i32
        %dma_start3A_179 = arith.constant 0 : i32
        %dma_start3A_180 = tpu.memref_slice %arg9[%add3A_178, %dma_start3A_179] : memref<256x64xf32, #tpu.memory_space<vmem>> -> memref<1x64xf32, #tpu.memory_space<vmem>>
        %dma_start3A_181 = tpu.memref_squeeze %dma_start3A_180 : memref<1x64xf32, #tpu.memory_space<vmem>> -> memref<64xf32, #tpu.memory_space<vmem>>
        %dma_start3A_182 = arith.constant 0 : i32
        %dma_start3A_183 = tpu.memref_slice %arg4[%reduce_sum3A_174, %dma_start3A_182] : memref<1000000x64xf32, #tpu.memory_space<hbm>> -> memref<1x64xf32, #tpu.memory_space<hbm>>
        %dma_start3A_184 = tpu.memref_squeeze %dma_start3A_183 : memref<1x64xf32, #tpu.memory_space<hbm>> -> memref<64xf32, #tpu.memory_space<hbm>>
        %dma_start3A_185 = arith.constant 0 : i32
        %dma_start3A_186 = tpu.memref_slice %arg9[%add3A_178, %dma_start3A_185] : memref<256x64xf32, #tpu.memory_space<vmem>> -> memref<1x64xf32, #tpu.memory_space<vmem>>
        %dma_start3A_187 = tpu.memref_squeeze %dma_start3A_186 : memref<1x64xf32, #tpu.memory_space<vmem>> -> memref<64xf32, #tpu.memory_space<vmem>>
        %dma_start3A_188 = arith.constant 0 : i32
        %dma_start3A_189 = tpu.memref_slice %arg4[%reduce_sum3A_174, %dma_start3A_188] : memref<1000000x64xf32, #tpu.memory_space<hbm>> -> memref<1x64xf32, #tpu.memory_space<hbm>>
        %dma_start3A_190 = tpu.memref_squeeze %dma_start3A_189 : memref<1x64xf32, #tpu.memory_space<hbm>> -> memref<64xf32, #tpu.memory_space<hbm>>
        tpu.enqueue_dma source(%dma_start3A_190 : memref<64xf32, #tpu.memory_space<hbm>>) target(%dma_start3A_187 : memref<64xf32, #tpu.memory_space<vmem>>) target_semaphore(%arg13 : memref<!tpu.dma_semaphore, #tpu.memory_space<semaphore_mem>>)
        %eq3A_191 = arith.constant 3 : i32
        %eq3A_192 = vector.broadcast %eq3A_191 : i32 to vector<16xi32>
        %eq3A_193 = arith.cmpi eq, %iota3A, %eq3A_192 : vector<16xi32>
        %select_n3A_194 = arith.select %eq3A_193, %get3A_45, %broadcast_in_dim3A_3 : vector<16xi1>, vector<16xi32>
        %reduce_sum3A_195 = arith.constant true
        %reduce_sum3A_196 = vector.broadcast %reduce_sum3A_195 : i1 to vector<16xi1>
        %reduce_sum3A_197 = tpu.scan <sum>, %select_n3A_194 masked %reduce_sum3A_196 : vector<16xi32>, vector<16xi1> -> vector<16xi32>
        %reduce_sum3A_198 = vector.extract %reduce_sum3A_197[15] : i32 from vector<16xi32>
        %mul3A_199 = arith.constant 16 : i32
        %mul3A_200 = arith.muli %scan3A_41, %mul3A_199 : i32
        %add3A_201 = arith.constant 3 : i32
        %add3A_202 = arith.addi %mul3A_200, %add3A_201 : i32
        %dma_start3A_203 = arith.constant 0 : i32
        %dma_start3A_204 = tpu.memref_slice %arg8[%add3A_202, %dma_start3A_203] : memref<256x64xf32, #tpu.memory_space<vmem>> -> memref<1x64xf32, #tpu.memory_space<vmem>>
        %dma_start3A_205 = tpu.memref_squeeze %dma_start3A_204 : memref<1x64xf32, #tpu.memory_space<vmem>> -> memref<64xf32, #tpu.memory_space<vmem>>
        %dma_start3A_206 = arith.constant 0 : i32
        %dma_start3A_207 = tpu.memref_slice %arg4[%reduce_sum3A_198, %dma_start3A_206] : memref<1000000x64xf32, #tpu.memory_space<hbm>> -> memref<1x64xf32, #tpu.memory_space<hbm>>
        %dma_start3A_208 = tpu.memref_squeeze %dma_start3A_207 : memref<1x64xf32, #tpu.memory_space<hbm>> -> memref<64xf32, #tpu.memory_space<hbm>>
        %dma_start3A_209 = arith.constant 0 : i32
        %dma_start3A_210 = tpu.memref_slice %arg8[%add3A_202, %dma_start3A_209] : memref<256x64xf32, #tpu.memory_space<vmem>> -> memref<1x64xf32, #tpu.memory_space<vmem>>
        %dma_start3A_211 = tpu.memref_squeeze %dma_start3A_210 : memref<1x64xf32, #tpu.memory_space<vmem>> -> memref<64xf32, #tpu.memory_space<vmem>>
        %dma_start3A_212 = arith.constant 0 : i32
        %dma_start3A_213 = tpu.memref_slice %arg4[%reduce_sum3A_198, %dma_start3A_212] : memref<1000000x64xf32, #tpu.memory_space<hbm>> -> memref<1x64xf32, #tpu.memory_space<hbm>>
        %dma_start3A_214 = tpu.memref_squeeze %dma_start3A_213 : memref<1x64xf32, #tpu.memory_space<hbm>> -> memref<64xf32, #tpu.memory_space<hbm>>
        tpu.enqueue_dma source(%dma_start3A_214 : memref<64xf32, #tpu.memory_space<hbm>>) target(%dma_start3A_211 : memref<64xf32, #tpu.memory_space<vmem>>) target_semaphore(%arg12 : memref<!tpu.dma_semaphore, #tpu.memory_space<semaphore_mem>>)
        %eq3A_215 = arith.constant 3 : i32
        %eq3A_216 = vector.broadcast %eq3A_215 : i32 to vector<16xi32>
        %eq3A_217 = arith.cmpi eq, %iota3A, %eq3A_216 : vector<16xi32>
        %select_n3A_218 = arith.select %eq3A_217, %get3A_50, %broadcast_in_dim3A_3 : vector<16xi1>, vector<16xi32>
        %reduce_sum3A_219 = arith.constant true
        %reduce_sum3A_220 = vector.broadcast %reduce_sum3A_219 : i1 to vector<16xi1>
        %reduce_sum3A_221 = tpu.scan <sum>, %select_n3A_218 masked %reduce_sum3A_220 : vector<16xi32>, vector<16xi1> -> vector<16xi32>
        %reduce_sum3A_222 = vector.extract %reduce_sum3A_221[15] : i32 from vector<16xi32>
        %mul3A_223 = arith.constant 16 : i32
        %mul3A_224 = arith.muli %scan3A_41, %mul3A_223 : i32
        %add3A_225 = arith.constant 3 : i32
        %add3A_226 = arith.addi %mul3A_224, %add3A_225 : i32
        %dma_start3A_227 = arith.constant 0 : i32
        %dma_start3A_228 = tpu.memref_slice %arg9[%add3A_226, %dma_start3A_227] : memref<256x64xf32, #tpu.memory_space<vmem>> -> memref<1x64xf32, #tpu.memory_space<vmem>>
        %dma_start3A_229 = tpu.memref_squeeze %dma_start3A_228 : memref<1x64xf32, #tpu.memory_space<vmem>> -> memref<64xf32, #tpu.memory_space<vmem>>
        %dma_start3A_230 = arith.constant 0 : i32
        %dma_start3A_231 = tpu.memref_slice %arg4[%reduce_sum3A_222, %dma_start3A_230] : memref<1000000x64xf32, #tpu.memory_space<hbm>> -> memref<1x64xf32, #tpu.memory_space<hbm>>
        %dma_start3A_232 = tpu.memref_squeeze %dma_start3A_231 : memref<1x64xf32, #tpu.memory_space<hbm>> -> memref<64xf32, #tpu.memory_space<hbm>>
        %dma_start3A_233 = arith.constant 0 : i32
        %dma_start3A_234 = tpu.memref_slice %arg9[%add3A_226, %dma_start3A_233] : memref<256x64xf32, #tpu.memory_space<vmem>> -> memref<1x64xf32, #tpu.memory_space<vmem>>
        %dma_start3A_235 = tpu.memref_squeeze %dma_start3A_234 : memref<1x64xf32, #tpu.memory_space<vmem>> -> memref<64xf32, #tpu.memory_space<vmem>>
        %dma_start3A_236 = arith.constant 0 : i32
        %dma_start3A_237 = tpu.memref_slice %arg4[%reduce_sum3A_222, %dma_start3A_236] : memref<1000000x64xf32, #tpu.memory_space<hbm>> -> memref<1x64xf32, #tpu.memory_space<hbm>>
        %dma_start3A_238 = tpu.memref_squeeze %dma_start3A_237 : memref<1x64xf32, #tpu.memory_space<hbm>> -> memref<64xf32, #tpu.memory_space<hbm>>
        tpu.enqueue_dma source(%dma_start3A_238 : memref<64xf32, #tpu.memory_space<hbm>>) target(%dma_start3A_235 : memref<64xf32, #tpu.memory_space<vmem>>) target_semaphore(%arg13 : memref<!tpu.dma_semaphore, #tpu.memory_space<semaphore_mem>>)
        %eq3A_239 = arith.constant 4 : i32
        %eq3A_240 = vector.broadcast %eq3A_239 : i32 to vector<16xi32>
        %eq3A_241 = arith.cmpi eq, %iota3A, %eq3A_240 : vector<16xi32>
        %select_n3A_242 = arith.select %eq3A_241, %get3A_45, %broadcast_in_dim3A_3 : vector<16xi1>, vector<16xi32>
        %reduce_sum3A_243 = arith.constant true
        %reduce_sum3A_244 = vector.broadcast %reduce_sum3A_243 : i1 to vector<16xi1>
        %reduce_sum3A_245 = tpu.scan <sum>, %select_n3A_242 masked %reduce_sum3A_244 : vector<16xi32>, vector<16xi1> -> vector<16xi32>
        %reduce_sum3A_246 = vector.extract %reduce_sum3A_245[15] : i32 from vector<16xi32>
        %mul3A_247 = arith.constant 16 : i32
        %mul3A_248 = arith.muli %scan3A_41, %mul3A_247 : i32
        %add3A_249 = arith.constant 4 : i32
        %add3A_250 = arith.addi %mul3A_248, %add3A_249 : i32
        %dma_start3A_251 = arith.constant 0 : i32
        %dma_start3A_252 = tpu.memref_slice %arg8[%add3A_250, %dma_start3A_251] : memref<256x64xf32, #tpu.memory_space<vmem>> -> memref<1x64xf32, #tpu.memory_space<vmem>>
        %dma_start3A_253 = tpu.memref_squeeze %dma_start3A_252 : memref<1x64xf32, #tpu.memory_space<vmem>> -> memref<64xf32, #tpu.memory_space<vmem>>
        %dma_start3A_254 = arith.constant 0 : i32
        %dma_start3A_255 = tpu.memref_slice %arg4[%reduce_sum3A_246, %dma_start3A_254] : memref<1000000x64xf32, #tpu.memory_space<hbm>> -> memref<1x64xf32, #tpu.memory_space<hbm>>
        %dma_start3A_256 = tpu.memref_squeeze %dma_start3A_255 : memref<1x64xf32, #tpu.memory_space<hbm>> -> memref<64xf32, #tpu.memory_space<hbm>>
        %dma_start3A_257 = arith.constant 0 : i32
        %dma_start3A_258 = tpu.memref_slice %arg8[%add3A_250, %dma_start3A_257] : memref<256x64xf32, #tpu.memory_space<vmem>> -> memref<1x64xf32, #tpu.memory_space<vmem>>
        %dma_start3A_259 = tpu.memref_squeeze %dma_start3A_258 : memref<1x64xf32, #tpu.memory_space<vmem>> -> memref<64xf32, #tpu.memory_space<vmem>>
        %dma_start3A_260 = arith.constant 0 : i32
        %dma_start3A_261 = tpu.memref_slice %arg4[%reduce_sum3A_246, %dma_start3A_260] : memref<1000000x64xf32, #tpu.memory_space<hbm>> -> memref<1x64xf32, #tpu.memory_space<hbm>>
        %dma_start3A_262 = tpu.memref_squeeze %dma_start3A_261 : memref<1x64xf32, #tpu.memory_space<hbm>> -> memref<64xf32, #tpu.memory_space<hbm>>
        tpu.enqueue_dma source(%dma_start3A_262 : memref<64xf32, #tpu.memory_space<hbm>>) target(%dma_start3A_259 : memref<64xf32, #tpu.memory_space<vmem>>) target_semaphore(%arg12 : memref<!tpu.dma_semaphore, #tpu.memory_space<semaphore_mem>>)
        %eq3A_263 = arith.constant 4 : i32
        %eq3A_264 = vector.broadcast %eq3A_263 : i32 to vector<16xi32>
        %eq3A_265 = arith.cmpi eq, %iota3A, %eq3A_264 : vector<16xi32>
        %select_n3A_266 = arith.select %eq3A_265, %get3A_50, %broadcast_in_dim3A_3 : vector<16xi1>, vector<16xi32>
        %reduce_sum3A_267 = arith.constant true
        %reduce_sum3A_268 = vector.broadcast %reduce_sum3A_267 : i1 to vector<16xi1>
        %reduce_sum3A_269 = tpu.scan <sum>, %select_n3A_266 masked %reduce_sum3A_268 : vector<16xi32>, vector<16xi1> -> vector<16xi32>
        %reduce_sum3A_270 = vector.extract %reduce_sum3A_269[15] : i32 from vector<16xi32>
        %mul3A_271 = arith.constant 16 : i32
        %mul3A_272 = arith.muli %scan3A_41, %mul3A_271 : i32
        %add3A_273 = arith.constant 4 : i32
        %add3A_274 = arith.addi %mul3A_272, %add3A_273 : i32
        %dma_start3A_275 = arith.constant 0 : i32
        %dma_start3A_276 = tpu.memref_slice %arg9[%add3A_274, %dma_start3A_275] : memref<256x64xf32, #tpu.memory_space<vmem>> -> memref<1x64xf32, #tpu.memory_space<vmem>>
        %dma_start3A_277 = tpu.memref_squeeze %dma_start3A_276 : memref<1x64xf32, #tpu.memory_space<vmem>> -> memref<64xf32, #tpu.memory_space<vmem>>
        %dma_start3A_278 = arith.constant 0 : i32
        %dma_start3A_279 = tpu.memref_slice %arg4[%reduce_sum3A_270, %dma_start3A_278] : memref<1000000x64xf32, #tpu.memory_space<hbm>> -> memref<1x64xf32, #tpu.memory_space<hbm>>
        %dma_start3A_280 = tpu.memref_squeeze %dma_start3A_279 : memref<1x64xf32, #tpu.memory_space<hbm>> -> memref<64xf32, #tpu.memory_space<hbm>>
        %dma_start3A_281 = arith.constant 0 : i32
        %dma_start3A_282 = tpu.memref_slice %arg9[%add3A_274, %dma_start3A_281] : memref<256x64xf32, #tpu.memory_space<vmem>> -> memref<1x64xf32, #tpu.memory_space<vmem>>
        %dma_start3A_283 = tpu.memref_squeeze %dma_start3A_282 : memref<1x64xf32, #tpu.memory_space<vmem>> -> memref<64xf32, #tpu.memory_space<vmem>>
        %dma_start3A_284 = arith.constant 0 : i32
        %dma_start3A_285 = tpu.memref_slice %arg4[%reduce_sum3A_270, %dma_start3A_284] : memref<1000000x64xf32, #tpu.memory_space<hbm>> -> memref<1x64xf32, #tpu.memory_space<hbm>>
        %dma_start3A_286 = tpu.memref_squeeze %dma_start3A_285 : memref<1x64xf32, #tpu.memory_space<hbm>> -> memref<64xf32, #tpu.memory_space<hbm>>
        tpu.enqueue_dma source(%dma_start3A_286 : memref<64xf32, #tpu.memory_space<hbm>>) target(%dma_start3A_283 : memref<64xf32, #tpu.memory_space<vmem>>) target_semaphore(%arg13 : memref<!tpu.dma_semaphore, #tpu.memory_space<semaphore_mem>>)
        %eq3A_287 = arith.constant 5 : i32
        %eq3A_288 = vector.broadcast %eq3A_287 : i32 to vector<16xi32>
        %eq3A_289 = arith.cmpi eq, %iota3A, %eq3A_288 : vector<16xi32>
        %select_n3A_290 = arith.select %eq3A_289, %get3A_45, %broadcast_in_dim3A_3 : vector<16xi1>, vector<16xi32>
        %reduce_sum3A_291 = arith.constant true
        %reduce_sum3A_292 = vector.broadcast %reduce_sum3A_291 : i1 to vector<16xi1>
        %reduce_sum3A_293 = tpu.scan <sum>, %select_n3A_290 masked %reduce_sum3A_292 : vector<16xi32>, vector<16xi1> -> vector<16xi32>
        %reduce_sum3A_294 = vector.extract %reduce_sum3A_293[15] : i32 from vector<16xi32>
        %mul3A_295 = arith.constant 16 : i32
        %mul3A_296 = arith.muli %scan3A_41, %mul3A_295 : i32
        %add3A_297 = arith.constant 5 : i32
        %add3A_298 = arith.addi %mul3A_296, %add3A_297 : i32
        %dma_start3A_299 = arith.constant 0 : i32
        %dma_start3A_300 = tpu.memref_slice %arg8[%add3A_298, %dma_start3A_299] : memref<256x64xf32, #tpu.memory_space<vmem>> -> memref<1x64xf32, #tpu.memory_space<vmem>>
        %dma_start3A_301 = tpu.memref_squeeze %dma_start3A_300 : memref<1x64xf32, #tpu.memory_space<vmem>> -> memref<64xf32, #tpu.memory_space<vmem>>
        %dma_start3A_302 = arith.constant 0 : i32
        %dma_start3A_303 = tpu.memref_slice %arg4[%reduce_sum3A_294, %dma_start3A_302] : memref<1000000x64xf32, #tpu.memory_space<hbm>> -> memref<1x64xf32, #tpu.memory_space<hbm>>
        %dma_start3A_304 = tpu.memref_squeeze %dma_start3A_303 : memref<1x64xf32, #tpu.memory_space<hbm>> -> memref<64xf32, #tpu.memory_space<hbm>>
        %dma_start3A_305 = arith.constant 0 : i32
        %dma_start3A_306 = tpu.memref_slice %arg8[%add3A_298, %dma_start3A_305] : memref<256x64xf32, #tpu.memory_space<vmem>> -> memref<1x64xf32, #tpu.memory_space<vmem>>
        %dma_start3A_307 = tpu.memref_squeeze %dma_start3A_306 : memref<1x64xf32, #tpu.memory_space<vmem>> -> memref<64xf32, #tpu.memory_space<vmem>>
        %dma_start3A_308 = arith.constant 0 : i32
        %dma_start3A_309 = tpu.memref_slice %arg4[%reduce_sum3A_294, %dma_start3A_308] : memref<1000000x64xf32, #tpu.memory_space<hbm>> -> memref<1x64xf32, #tpu.memory_space<hbm>>
        %dma_start3A_310 = tpu.memref_squeeze %dma_start3A_309 : memref<1x64xf32, #tpu.memory_space<hbm>> -> memref<64xf32, #tpu.memory_space<hbm>>
        tpu.enqueue_dma source(%dma_start3A_310 : memref<64xf32, #tpu.memory_space<hbm>>) target(%dma_start3A_307 : memref<64xf32, #tpu.memory_space<vmem>>) target_semaphore(%arg12 : memref<!tpu.dma_semaphore, #tpu.memory_space<semaphore_mem>>)
        %eq3A_311 = arith.constant 5 : i32
        %eq3A_312 = vector.broadcast %eq3A_311 : i32 to vector<16xi32>
        %eq3A_313 = arith.cmpi eq, %iota3A, %eq3A_312 : vector<16xi32>
        %select_n3A_314 = arith.select %eq3A_313, %get3A_50, %broadcast_in_dim3A_3 : vector<16xi1>, vector<16xi32>
        %reduce_sum3A_315 = arith.constant true
        %reduce_sum3A_316 = vector.broadcast %reduce_sum3A_315 : i1 to vector<16xi1>
        %reduce_sum3A_317 = tpu.scan <sum>, %select_n3A_314 masked %reduce_sum3A_316 : vector<16xi32>, vector<16xi1> -> vector<16xi32>
        %reduce_sum3A_318 = vector.extract %reduce_sum3A_317[15] : i32 from vector<16xi32>
        %mul3A_319 = arith.constant 16 : i32
        %mul3A_320 = arith.muli %scan3A_41, %mul3A_319 : i32
        %add3A_321 = arith.constant 5 : i32
        %add3A_322 = arith.addi %mul3A_320, %add3A_321 : i32
        %dma_start3A_323 = arith.constant 0 : i32
        %dma_start3A_324 = tpu.memref_slice %arg9[%add3A_322, %dma_start3A_323] : memref<256x64xf32, #tpu.memory_space<vmem>> -> memref<1x64xf32, #tpu.memory_space<vmem>>
        %dma_start3A_325 = tpu.memref_squeeze %dma_start3A_324 : memref<1x64xf32, #tpu.memory_space<vmem>> -> memref<64xf32, #tpu.memory_space<vmem>>
        %dma_start3A_326 = arith.constant 0 : i32
        %dma_start3A_327 = tpu.memref_slice %arg4[%reduce_sum3A_318, %dma_start3A_326] : memref<1000000x64xf32, #tpu.memory_space<hbm>> -> memref<1x64xf32, #tpu.memory_space<hbm>>
        %dma_start3A_328 = tpu.memref_squeeze %dma_start3A_327 : memref<1x64xf32, #tpu.memory_space<hbm>> -> memref<64xf32, #tpu.memory_space<hbm>>
        %dma_start3A_329 = arith.constant 0 : i32
        %dma_start3A_330 = tpu.memref_slice %arg9[%add3A_322, %dma_start3A_329] : memref<256x64xf32, #tpu.memory_space<vmem>> -> memref<1x64xf32, #tpu.memory_space<vmem>>
        %dma_start3A_331 = tpu.memref_squeeze %dma_start3A_330 : memref<1x64xf32, #tpu.memory_space<vmem>> -> memref<64xf32, #tpu.memory_space<vmem>>
        %dma_start3A_332 = arith.constant 0 : i32
        %dma_start3A_333 = tpu.memref_slice %arg4[%reduce_sum3A_318, %dma_start3A_332] : memref<1000000x64xf32, #tpu.memory_space<hbm>> -> memref<1x64xf32, #tpu.memory_space<hbm>>
        %dma_start3A_334 = tpu.memref_squeeze %dma_start3A_333 : memref<1x64xf32, #tpu.memory_space<hbm>> -> memref<64xf32, #tpu.memory_space<hbm>>
        tpu.enqueue_dma source(%dma_start3A_334 : memref<64xf32, #tpu.memory_space<hbm>>) target(%dma_start3A_331 : memref<64xf32, #tpu.memory_space<vmem>>) target_semaphore(%arg13 : memref<!tpu.dma_semaphore, #tpu.memory_space<semaphore_mem>>)
        %eq3A_335 = arith.constant 6 : i32
        %eq3A_336 = vector.broadcast %eq3A_335 : i32 to vector<16xi32>
        %eq3A_337 = arith.cmpi eq, %iota3A, %eq3A_336 : vector<16xi32>
        %select_n3A_338 = arith.select %eq3A_337, %get3A_45, %broadcast_in_dim3A_3 : vector<16xi1>, vector<16xi32>
        %reduce_sum3A_339 = arith.constant true
        %reduce_sum3A_340 = vector.broadcast %reduce_sum3A_339 : i1 to vector<16xi1>
        %reduce_sum3A_341 = tpu.scan <sum>, %select_n3A_338 masked %reduce_sum3A_340 : vector<16xi32>, vector<16xi1> -> vector<16xi32>
        %reduce_sum3A_342 = vector.extract %reduce_sum3A_341[15] : i32 from vector<16xi32>
        %mul3A_343 = arith.constant 16 : i32
        %mul3A_344 = arith.muli %scan3A_41, %mul3A_343 : i32
        %add3A_345 = arith.constant 6 : i32
        %add3A_346 = arith.addi %mul3A_344, %add3A_345 : i32
        %dma_start3A_347 = arith.constant 0 : i32
        %dma_start3A_348 = tpu.memref_slice %arg8[%add3A_346, %dma_start3A_347] : memref<256x64xf32, #tpu.memory_space<vmem>> -> memref<1x64xf32, #tpu.memory_space<vmem>>
        %dma_start3A_349 = tpu.memref_squeeze %dma_start3A_348 : memref<1x64xf32, #tpu.memory_space<vmem>> -> memref<64xf32, #tpu.memory_space<vmem>>
        %dma_start3A_350 = arith.constant 0 : i32
        %dma_start3A_351 = tpu.memref_slice %arg4[%reduce_sum3A_342, %dma_start3A_350] : memref<1000000x64xf32, #tpu.memory_space<hbm>> -> memref<1x64xf32, #tpu.memory_space<hbm>>
        %dma_start3A_352 = tpu.memref_squeeze %dma_start3A_351 : memref<1x64xf32, #tpu.memory_space<hbm>> -> memref<64xf32, #tpu.memory_space<hbm>>
        %dma_start3A_353 = arith.constant 0 : i32
        %dma_start3A_354 = tpu.memref_slice %arg8[%add3A_346, %dma_start3A_353] : memref<256x64xf32, #tpu.memory_space<vmem>> -> memref<1x64xf32, #tpu.memory_space<vmem>>
        %dma_start3A_355 = tpu.memref_squeeze %dma_start3A_354 : memref<1x64xf32, #tpu.memory_space<vmem>> -> memref<64xf32, #tpu.memory_space<vmem>>
        %dma_start3A_356 = arith.constant 0 : i32
        %dma_start3A_357 = tpu.memref_slice %arg4[%reduce_sum3A_342, %dma_start3A_356] : memref<1000000x64xf32, #tpu.memory_space<hbm>> -> memref<1x64xf32, #tpu.memory_space<hbm>>
        %dma_start3A_358 = tpu.memref_squeeze %dma_start3A_357 : memref<1x64xf32, #tpu.memory_space<hbm>> -> memref<64xf32, #tpu.memory_space<hbm>>
        tpu.enqueue_dma source(%dma_start3A_358 : memref<64xf32, #tpu.memory_space<hbm>>) target(%dma_start3A_355 : memref<64xf32, #tpu.memory_space<vmem>>) target_semaphore(%arg12 : memref<!tpu.dma_semaphore, #tpu.memory_space<semaphore_mem>>)
        %eq3A_359 = arith.constant 6 : i32
        %eq3A_360 = vector.broadcast %eq3A_359 : i32 to vector<16xi32>
        %eq3A_361 = arith.cmpi eq, %iota3A, %eq3A_360 : vector<16xi32>
        %select_n3A_362 = arith.select %eq3A_361, %get3A_50, %broadcast_in_dim3A_3 : vector<16xi1>, vector<16xi32>
        %reduce_sum3A_363 = arith.constant true
        %reduce_sum3A_364 = vector.broadcast %reduce_sum3A_363 : i1 to vector<16xi1>
        %reduce_sum3A_365 = tpu.scan <sum>, %select_n3A_362 masked %reduce_sum3A_364 : vector<16xi32>, vector<16xi1> -> vector<16xi32>
        %reduce_sum3A_366 = vector.extract %reduce_sum3A_365[15] : i32 from vector<16xi32>
        %mul3A_367 = arith.constant 16 : i32
        %mul3A_368 = arith.muli %scan3A_41, %mul3A_367 : i32
        %add3A_369 = arith.constant 6 : i32
        %add3A_370 = arith.addi %mul3A_368, %add3A_369 : i32
        %dma_start3A_371 = arith.constant 0 : i32
        %dma_start3A_372 = tpu.memref_slice %arg9[%add3A_370, %dma_start3A_371] : memref<256x64xf32, #tpu.memory_space<vmem>> -> memref<1x64xf32, #tpu.memory_space<vmem>>
        %dma_start3A_373 = tpu.memref_squeeze %dma_start3A_372 : memref<1x64xf32, #tpu.memory_space<vmem>> -> memref<64xf32, #tpu.memory_space<vmem>>
        %dma_start3A_374 = arith.constant 0 : i32
        %dma_start3A_375 = tpu.memref_slice %arg4[%reduce_sum3A_366, %dma_start3A_374] : memref<1000000x64xf32, #tpu.memory_space<hbm>> -> memref<1x64xf32, #tpu.memory_space<hbm>>
        %dma_start3A_376 = tpu.memref_squeeze %dma_start3A_375 : memref<1x64xf32, #tpu.memory_space<hbm>> -> memref<64xf32, #tpu.memory_space<hbm>>
        %dma_start3A_377 = arith.constant 0 : i32
        %dma_start3A_378 = tpu.memref_slice %arg9[%add3A_370, %dma_start3A_377] : memref<256x64xf32, #tpu.memory_space<vmem>> -> memref<1x64xf32, #tpu.memory_space<vmem>>
        %dma_start3A_379 = tpu.memref_squeeze %dma_start3A_378 : memref<1x64xf32, #tpu.memory_space<vmem>> -> memref<64xf32, #tpu.memory_space<vmem>>
        %dma_start3A_380 = arith.constant 0 : i32
        %dma_start3A_381 = tpu.memref_slice %arg4[%reduce_sum3A_366, %dma_start3A_380] : memref<1000000x64xf32, #tpu.memory_space<hbm>> -> memref<1x64xf32, #tpu.memory_space<hbm>>
        %dma_start3A_382 = tpu.memref_squeeze %dma_start3A_381 : memref<1x64xf32, #tpu.memory_space<hbm>> -> memref<64xf32, #tpu.memory_space<hbm>>
        tpu.enqueue_dma source(%dma_start3A_382 : memref<64xf32, #tpu.memory_space<hbm>>) target(%dma_start3A_379 : memref<64xf32, #tpu.memory_space<vmem>>) target_semaphore(%arg13 : memref<!tpu.dma_semaphore, #tpu.memory_space<semaphore_mem>>)
        %eq3A_383 = arith.constant 7 : i32
        %eq3A_384 = vector.broadcast %eq3A_383 : i32 to vector<16xi32>
        %eq3A_385 = arith.cmpi eq, %iota3A, %eq3A_384 : vector<16xi32>
        %select_n3A_386 = arith.select %eq3A_385, %get3A_45, %broadcast_in_dim3A_3 : vector<16xi1>, vector<16xi32>
        %reduce_sum3A_387 = arith.constant true
        %reduce_sum3A_388 = vector.broadcast %reduce_sum3A_387 : i1 to vector<16xi1>
        %reduce_sum3A_389 = tpu.scan <sum>, %select_n3A_386 masked %reduce_sum3A_388 : vector<16xi32>, vector<16xi1> -> vector<16xi32>
        %reduce_sum3A_390 = vector.extract %reduce_sum3A_389[15] : i32 from vector<16xi32>
        %mul3A_391 = arith.constant 16 : i32
        %mul3A_392 = arith.muli %scan3A_41, %mul3A_391 : i32
        %add3A_393 = arith.constant 7 : i32
        %add3A_394 = arith.addi %mul3A_392, %add3A_393 : i32
        %dma_start3A_395 = arith.constant 0 : i32
        %dma_start3A_396 = tpu.memref_slice %arg8[%add3A_394, %dma_start3A_395] : memref<256x64xf32, #tpu.memory_space<vmem>> -> memref<1x64xf32, #tpu.memory_space<vmem>>
        %dma_start3A_397 = tpu.memref_squeeze %dma_start3A_396 : memref<1x64xf32, #tpu.memory_space<vmem>> -> memref<64xf32, #tpu.memory_space<vmem>>
        %dma_start3A_398 = arith.constant 0 : i32
        %dma_start3A_399 = tpu.memref_slice %arg4[%reduce_sum3A_390, %dma_start3A_398] : memref<1000000x64xf32, #tpu.memory_space<hbm>> -> memref<1x64xf32, #tpu.memory_space<hbm>>
        %dma_start3A_400 = tpu.memref_squeeze %dma_start3A_399 : memref<1x64xf32, #tpu.memory_space<hbm>> -> memref<64xf32, #tpu.memory_space<hbm>>
        %dma_start3A_401 = arith.constant 0 : i32
        %dma_start3A_402 = tpu.memref_slice %arg8[%add3A_394, %dma_start3A_401] : memref<256x64xf32, #tpu.memory_space<vmem>> -> memref<1x64xf32, #tpu.memory_space<vmem>>
        %dma_start3A_403 = tpu.memref_squeeze %dma_start3A_402 : memref<1x64xf32, #tpu.memory_space<vmem>> -> memref<64xf32, #tpu.memory_space<vmem>>
        %dma_start3A_404 = arith.constant 0 : i32
        %dma_start3A_405 = tpu.memref_slice %arg4[%reduce_sum3A_390, %dma_start3A_404] : memref<1000000x64xf32, #tpu.memory_space<hbm>> -> memref<1x64xf32, #tpu.memory_space<hbm>>
        %dma_start3A_406 = tpu.memref_squeeze %dma_start3A_405 : memref<1x64xf32, #tpu.memory_space<hbm>> -> memref<64xf32, #tpu.memory_space<hbm>>
        tpu.enqueue_dma source(%dma_start3A_406 : memref<64xf32, #tpu.memory_space<hbm>>) target(%dma_start3A_403 : memref<64xf32, #tpu.memory_space<vmem>>) target_semaphore(%arg12 : memref<!tpu.dma_semaphore, #tpu.memory_space<semaphore_mem>>)
        %eq3A_407 = arith.constant 7 : i32
        %eq3A_408 = vector.broadcast %eq3A_407 : i32 to vector<16xi32>
        %eq3A_409 = arith.cmpi eq, %iota3A, %eq3A_408 : vector<16xi32>
        %select_n3A_410 = arith.select %eq3A_409, %get3A_50, %broadcast_in_dim3A_3 : vector<16xi1>, vector<16xi32>
        %reduce_sum3A_411 = arith.constant true
        %reduce_sum3A_412 = vector.broadcast %reduce_sum3A_411 : i1 to vector<16xi1>
        %reduce_sum3A_413 = tpu.scan <sum>, %select_n3A_410 masked %reduce_sum3A_412 : vector<16xi32>, vector<16xi1> -> vector<16xi32>
        %reduce_sum3A_414 = vector.extract %reduce_sum3A_413[15] : i32 from vector<16xi32>
        %mul3A_415 = arith.constant 16 : i32
        %mul3A_416 = arith.muli %scan3A_41, %mul3A_415 : i32
        %add3A_417 = arith.constant 7 : i32
        %add3A_418 = arith.addi %mul3A_416, %add3A_417 : i32
        %dma_start3A_419 = arith.constant 0 : i32
        %dma_start3A_420 = tpu.memref_slice %arg9[%add3A_418, %dma_start3A_419] : memref<256x64xf32, #tpu.memory_space<vmem>> -> memref<1x64xf32, #tpu.memory_space<vmem>>
        %dma_start3A_421 = tpu.memref_squeeze %dma_start3A_420 : memref<1x64xf32, #tpu.memory_space<vmem>> -> memref<64xf32, #tpu.memory_space<vmem>>
        %dma_start3A_422 = arith.constant 0 : i32
        %dma_start3A_423 = tpu.memref_slice %arg4[%reduce_sum3A_414, %dma_start3A_422] : memref<1000000x64xf32, #tpu.memory_space<hbm>> -> memref<1x64xf32, #tpu.memory_space<hbm>>
        %dma_start3A_424 = tpu.memref_squeeze %dma_start3A_423 : memref<1x64xf32, #tpu.memory_space<hbm>> -> memref<64xf32, #tpu.memory_space<hbm>>
        %dma_start3A_425 = arith.constant 0 : i32
        %dma_start3A_426 = tpu.memref_slice %arg9[%add3A_418, %dma_start3A_425] : memref<256x64xf32, #tpu.memory_space<vmem>> -> memref<1x64xf32, #tpu.memory_space<vmem>>
        %dma_start3A_427 = tpu.memref_squeeze %dma_start3A_426 : memref<1x64xf32, #tpu.memory_space<vmem>> -> memref<64xf32, #tpu.memory_space<vmem>>
        %dma_start3A_428 = arith.constant 0 : i32
        %dma_start3A_429 = tpu.memref_slice %arg4[%reduce_sum3A_414, %dma_start3A_428] : memref<1000000x64xf32, #tpu.memory_space<hbm>> -> memref<1x64xf32, #tpu.memory_space<hbm>>
        %dma_start3A_430 = tpu.memref_squeeze %dma_start3A_429 : memref<1x64xf32, #tpu.memory_space<hbm>> -> memref<64xf32, #tpu.memory_space<hbm>>
        tpu.enqueue_dma source(%dma_start3A_430 : memref<64xf32, #tpu.memory_space<hbm>>) target(%dma_start3A_427 : memref<64xf32, #tpu.memory_space<vmem>>) target_semaphore(%arg13 : memref<!tpu.dma_semaphore, #tpu.memory_space<semaphore_mem>>)
        %eq3A_431 = arith.constant 8 : i32
        %eq3A_432 = vector.broadcast %eq3A_431 : i32 to vector<16xi32>
        %eq3A_433 = arith.cmpi eq, %iota3A, %eq3A_432 : vector<16xi32>
        %select_n3A_434 = arith.select %eq3A_433, %get3A_45, %broadcast_in_dim3A_3 : vector<16xi1>, vector<16xi32>
        %reduce_sum3A_435 = arith.constant true
        %reduce_sum3A_436 = vector.broadcast %reduce_sum3A_435 : i1 to vector<16xi1>
        %reduce_sum3A_437 = tpu.scan <sum>, %select_n3A_434 masked %reduce_sum3A_436 : vector<16xi32>, vector<16xi1> -> vector<16xi32>
        %reduce_sum3A_438 = vector.extract %reduce_sum3A_437[15] : i32 from vector<16xi32>
        %mul3A_439 = arith.constant 16 : i32
        %mul3A_440 = arith.muli %scan3A_41, %mul3A_439 : i32
        %add3A_441 = arith.constant 8 : i32
        %add3A_442 = arith.addi %mul3A_440, %add3A_441 : i32
        %dma_start3A_443 = arith.constant 0 : i32
        %dma_start3A_444 = tpu.memref_slice %arg8[%add3A_442, %dma_start3A_443] : memref<256x64xf32, #tpu.memory_space<vmem>> -> memref<1x64xf32, #tpu.memory_space<vmem>>
        %dma_start3A_445 = tpu.memref_squeeze %dma_start3A_444 : memref<1x64xf32, #tpu.memory_space<vmem>> -> memref<64xf32, #tpu.memory_space<vmem>>
        %dma_start3A_446 = arith.constant 0 : i32
        %dma_start3A_447 = tpu.memref_slice %arg4[%reduce_sum3A_438, %dma_start3A_446] : memref<1000000x64xf32, #tpu.memory_space<hbm>> -> memref<1x64xf32, #tpu.memory_space<hbm>>
        %dma_start3A_448 = tpu.memref_squeeze %dma_start3A_447 : memref<1x64xf32, #tpu.memory_space<hbm>> -> memref<64xf32, #tpu.memory_space<hbm>>
        %dma_start3A_449 = arith.constant 0 : i32
        %dma_start3A_450 = tpu.memref_slice %arg8[%add3A_442, %dma_start3A_449] : memref<256x64xf32, #tpu.memory_space<vmem>> -> memref<1x64xf32, #tpu.memory_space<vmem>>
        %dma_start3A_451 = tpu.memref_squeeze %dma_start3A_450 : memref<1x64xf32, #tpu.memory_space<vmem>> -> memref<64xf32, #tpu.memory_space<vmem>>
        %dma_start3A_452 = arith.constant 0 : i32
        %dma_start3A_453 = tpu.memref_slice %arg4[%reduce_sum3A_438, %dma_start3A_452] : memref<1000000x64xf32, #tpu.memory_space<hbm>> -> memref<1x64xf32, #tpu.memory_space<hbm>>
        %dma_start3A_454 = tpu.memref_squeeze %dma_start3A_453 : memref<1x64xf32, #tpu.memory_space<hbm>> -> memref<64xf32, #tpu.memory_space<hbm>>
        tpu.enqueue_dma source(%dma_start3A_454 : memref<64xf32, #tpu.memory_space<hbm>>) target(%dma_start3A_451 : memref<64xf32, #tpu.memory_space<vmem>>) target_semaphore(%arg12 : memref<!tpu.dma_semaphore, #tpu.memory_space<semaphore_mem>>)
        %eq3A_455 = arith.constant 8 : i32
        %eq3A_456 = vector.broadcast %eq3A_455 : i32 to vector<16xi32>
        %eq3A_457 = arith.cmpi eq, %iota3A, %eq3A_456 : vector<16xi32>
        %select_n3A_458 = arith.select %eq3A_457, %get3A_50, %broadcast_in_dim3A_3 : vector<16xi1>, vector<16xi32>
        %reduce_sum3A_459 = arith.constant true
        %reduce_sum3A_460 = vector.broadcast %reduce_sum3A_459 : i1 to vector<16xi1>
        %reduce_sum3A_461 = tpu.scan <sum>, %select_n3A_458 masked %reduce_sum3A_460 : vector<16xi32>, vector<16xi1> -> vector<16xi32>
        %reduce_sum3A_462 = vector.extract %reduce_sum3A_461[15] : i32 from vector<16xi32>
        %mul3A_463 = arith.constant 16 : i32
        %mul3A_464 = arith.muli %scan3A_41, %mul3A_463 : i32
        %add3A_465 = arith.constant 8 : i32
        %add3A_466 = arith.addi %mul3A_464, %add3A_465 : i32
        %dma_start3A_467 = arith.constant 0 : i32
        %dma_start3A_468 = tpu.memref_slice %arg9[%add3A_466, %dma_start3A_467] : memref<256x64xf32, #tpu.memory_space<vmem>> -> memref<1x64xf32, #tpu.memory_space<vmem>>
        %dma_start3A_469 = tpu.memref_squeeze %dma_start3A_468 : memref<1x64xf32, #tpu.memory_space<vmem>> -> memref<64xf32, #tpu.memory_space<vmem>>
        %dma_start3A_470 = arith.constant 0 : i32
        %dma_start3A_471 = tpu.memref_slice %arg4[%reduce_sum3A_462, %dma_start3A_470] : memref<1000000x64xf32, #tpu.memory_space<hbm>> -> memref<1x64xf32, #tpu.memory_space<hbm>>
        %dma_start3A_472 = tpu.memref_squeeze %dma_start3A_471 : memref<1x64xf32, #tpu.memory_space<hbm>> -> memref<64xf32, #tpu.memory_space<hbm>>
        %dma_start3A_473 = arith.constant 0 : i32
        %dma_start3A_474 = tpu.memref_slice %arg9[%add3A_466, %dma_start3A_473] : memref<256x64xf32, #tpu.memory_space<vmem>> -> memref<1x64xf32, #tpu.memory_space<vmem>>
        %dma_start3A_475 = tpu.memref_squeeze %dma_start3A_474 : memref<1x64xf32, #tpu.memory_space<vmem>> -> memref<64xf32, #tpu.memory_space<vmem>>
        %dma_start3A_476 = arith.constant 0 : i32
        %dma_start3A_477 = tpu.memref_slice %arg4[%reduce_sum3A_462, %dma_start3A_476] : memref<1000000x64xf32, #tpu.memory_space<hbm>> -> memref<1x64xf32, #tpu.memory_space<hbm>>
        %dma_start3A_478 = tpu.memref_squeeze %dma_start3A_477 : memref<1x64xf32, #tpu.memory_space<hbm>> -> memref<64xf32, #tpu.memory_space<hbm>>
        tpu.enqueue_dma source(%dma_start3A_478 : memref<64xf32, #tpu.memory_space<hbm>>) target(%dma_start3A_475 : memref<64xf32, #tpu.memory_space<vmem>>) target_semaphore(%arg13 : memref<!tpu.dma_semaphore, #tpu.memory_space<semaphore_mem>>)
        %eq3A_479 = arith.constant 9 : i32
        %eq3A_480 = vector.broadcast %eq3A_479 : i32 to vector<16xi32>
        %eq3A_481 = arith.cmpi eq, %iota3A, %eq3A_480 : vector<16xi32>
        %select_n3A_482 = arith.select %eq3A_481, %get3A_45, %broadcast_in_dim3A_3 : vector<16xi1>, vector<16xi32>
        %reduce_sum3A_483 = arith.constant true
        %reduce_sum3A_484 = vector.broadcast %reduce_sum3A_483 : i1 to vector<16xi1>
        %reduce_sum3A_485 = tpu.scan <sum>, %select_n3A_482 masked %reduce_sum3A_484 : vector<16xi32>, vector<16xi1> -> vector<16xi32>
        %reduce_sum3A_486 = vector.extract %reduce_sum3A_485[15] : i32 from vector<16xi32>
        %mul3A_487 = arith.constant 16 : i32
        %mul3A_488 = arith.muli %scan3A_41, %mul3A_487 : i32
        %add3A_489 = arith.constant 9 : i32
        %add3A_490 = arith.addi %mul3A_488, %add3A_489 : i32
        %dma_start3A_491 = arith.constant 0 : i32
        %dma_start3A_492 = tpu.memref_slice %arg8[%add3A_490, %dma_start3A_491] : memref<256x64xf32, #tpu.memory_space<vmem>> -> memref<1x64xf32, #tpu.memory_space<vmem>>
        %dma_start3A_493 = tpu.memref_squeeze %dma_start3A_492 : memref<1x64xf32, #tpu.memory_space<vmem>> -> memref<64xf32, #tpu.memory_space<vmem>>
        %dma_start3A_494 = arith.constant 0 : i32
        %dma_start3A_495 = tpu.memref_slice %arg4[%reduce_sum3A_486, %dma_start3A_494] : memref<1000000x64xf32, #tpu.memory_space<hbm>> -> memref<1x64xf32, #tpu.memory_space<hbm>>
        %dma_start3A_496 = tpu.memref_squeeze %dma_start3A_495 : memref<1x64xf32, #tpu.memory_space<hbm>> -> memref<64xf32, #tpu.memory_space<hbm>>
        %dma_start3A_497 = arith.constant 0 : i32
        %dma_start3A_498 = tpu.memref_slice %arg8[%add3A_490, %dma_start3A_497] : memref<256x64xf32, #tpu.memory_space<vmem>> -> memref<1x64xf32, #tpu.memory_space<vmem>>
        %dma_start3A_499 = tpu.memref_squeeze %dma_start3A_498 : memref<1x64xf32, #tpu.memory_space<vmem>> -> memref<64xf32, #tpu.memory_space<vmem>>
        %dma_start3A_500 = arith.constant 0 : i32
        %dma_start3A_501 = tpu.memref_slice %arg4[%reduce_sum3A_486, %dma_start3A_500] : memref<1000000x64xf32, #tpu.memory_space<hbm>> -> memref<1x64xf32, #tpu.memory_space<hbm>>
        %dma_start3A_502 = tpu.memref_squeeze %dma_start3A_501 : memref<1x64xf32, #tpu.memory_space<hbm>> -> memref<64xf32, #tpu.memory_space<hbm>>
        tpu.enqueue_dma source(%dma_start3A_502 : memref<64xf32, #tpu.memory_space<hbm>>) target(%dma_start3A_499 : memref<64xf32, #tpu.memory_space<vmem>>) target_semaphore(%arg12 : memref<!tpu.dma_semaphore, #tpu.memory_space<semaphore_mem>>)
        %eq3A_503 = arith.constant 9 : i32
        %eq3A_504 = vector.broadcast %eq3A_503 : i32 to vector<16xi32>
        %eq3A_505 = arith.cmpi eq, %iota3A, %eq3A_504 : vector<16xi32>
        %select_n3A_506 = arith.select %eq3A_505, %get3A_50, %broadcast_in_dim3A_3 : vector<16xi1>, vector<16xi32>
        %reduce_sum3A_507 = arith.constant true
        %reduce_sum3A_508 = vector.broadcast %reduce_sum3A_507 : i1 to vector<16xi1>
        %reduce_sum3A_509 = tpu.scan <sum>, %select_n3A_506 masked %reduce_sum3A_508 : vector<16xi32>, vector<16xi1> -> vector<16xi32>
        %reduce_sum3A_510 = vector.extract %reduce_sum3A_509[15] : i32 from vector<16xi32>
        %mul3A_511 = arith.constant 16 : i32
        %mul3A_512 = arith.muli %scan3A_41, %mul3A_511 : i32
        %add3A_513 = arith.constant 9 : i32
        %add3A_514 = arith.addi %mul3A_512, %add3A_513 : i32
        %dma_start3A_515 = arith.constant 0 : i32
        %dma_start3A_516 = tpu.memref_slice %arg9[%add3A_514, %dma_start3A_515] : memref<256x64xf32, #tpu.memory_space<vmem>> -> memref<1x64xf32, #tpu.memory_space<vmem>>
        %dma_start3A_517 = tpu.memref_squeeze %dma_start3A_516 : memref<1x64xf32, #tpu.memory_space<vmem>> -> memref<64xf32, #tpu.memory_space<vmem>>
        %dma_start3A_518 = arith.constant 0 : i32
        %dma_start3A_519 = tpu.memref_slice %arg4[%reduce_sum3A_510, %dma_start3A_518] : memref<1000000x64xf32, #tpu.memory_space<hbm>> -> memref<1x64xf32, #tpu.memory_space<hbm>>
        %dma_start3A_520 = tpu.memref_squeeze %dma_start3A_519 : memref<1x64xf32, #tpu.memory_space<hbm>> -> memref<64xf32, #tpu.memory_space<hbm>>
        %dma_start3A_521 = arith.constant 0 : i32
        %dma_start3A_522 = tpu.memref_slice %arg9[%add3A_514, %dma_start3A_521] : memref<256x64xf32, #tpu.memory_space<vmem>> -> memref<1x64xf32, #tpu.memory_space<vmem>>
        %dma_start3A_523 = tpu.memref_squeeze %dma_start3A_522 : memref<1x64xf32, #tpu.memory_space<vmem>> -> memref<64xf32, #tpu.memory_space<vmem>>
        %dma_start3A_524 = arith.constant 0 : i32
        %dma_start3A_525 = tpu.memref_slice %arg4[%reduce_sum3A_510, %dma_start3A_524] : memref<1000000x64xf32, #tpu.memory_space<hbm>> -> memref<1x64xf32, #tpu.memory_space<hbm>>
        %dma_start3A_526 = tpu.memref_squeeze %dma_start3A_525 : memref<1x64xf32, #tpu.memory_space<hbm>> -> memref<64xf32, #tpu.memory_space<hbm>>
        tpu.enqueue_dma source(%dma_start3A_526 : memref<64xf32, #tpu.memory_space<hbm>>) target(%dma_start3A_523 : memref<64xf32, #tpu.memory_space<vmem>>) target_semaphore(%arg13 : memref<!tpu.dma_semaphore, #tpu.memory_space<semaphore_mem>>)
        %eq3A_527 = arith.constant 10 : i32
        %eq3A_528 = vector.broadcast %eq3A_527 : i32 to vector<16xi32>
        %eq3A_529 = arith.cmpi eq, %iota3A, %eq3A_528 : vector<16xi32>
        %select_n3A_530 = arith.select %eq3A_529, %get3A_45, %broadcast_in_dim3A_3 : vector<16xi1>, vector<16xi32>
        %reduce_sum3A_531 = arith.constant true
        %reduce_sum3A_532 = vector.broadcast %reduce_sum3A_531 : i1 to vector<16xi1>
        %reduce_sum3A_533 = tpu.scan <sum>, %select_n3A_530 masked %reduce_sum3A_532 : vector<16xi32>, vector<16xi1> -> vector<16xi32>
        %reduce_sum3A_534 = vector.extract %reduce_sum3A_533[15] : i32 from vector<16xi32>
        %mul3A_535 = arith.constant 16 : i32
        %mul3A_536 = arith.muli %scan3A_41, %mul3A_535 : i32
        %add3A_537 = arith.constant 10 : i32
        %add3A_538 = arith.addi %mul3A_536, %add3A_537 : i32
        %dma_start3A_539 = arith.constant 0 : i32
        %dma_start3A_540 = tpu.memref_slice %arg8[%add3A_538, %dma_start3A_539] : memref<256x64xf32, #tpu.memory_space<vmem>> -> memref<1x64xf32, #tpu.memory_space<vmem>>
        %dma_start3A_541 = tpu.memref_squeeze %dma_start3A_540 : memref<1x64xf32, #tpu.memory_space<vmem>> -> memref<64xf32, #tpu.memory_space<vmem>>
        %dma_start3A_542 = arith.constant 0 : i32
        %dma_start3A_543 = tpu.memref_slice %arg4[%reduce_sum3A_534, %dma_start3A_542] : memref<1000000x64xf32, #tpu.memory_space<hbm>> -> memref<1x64xf32, #tpu.memory_space<hbm>>
        %dma_start3A_544 = tpu.memref_squeeze %dma_start3A_543 : memref<1x64xf32, #tpu.memory_space<hbm>> -> memref<64xf32, #tpu.memory_space<hbm>>
        %dma_start3A_545 = arith.constant 0 : i32
        %dma_start3A_546 = tpu.memref_slice %arg8[%add3A_538, %dma_start3A_545] : memref<256x64xf32, #tpu.memory_space<vmem>> -> memref<1x64xf32, #tpu.memory_space<vmem>>
        %dma_start3A_547 = tpu.memref_squeeze %dma_start3A_546 : memref<1x64xf32, #tpu.memory_space<vmem>> -> memref<64xf32, #tpu.memory_space<vmem>>
        %dma_start3A_548 = arith.constant 0 : i32
        %dma_start3A_549 = tpu.memref_slice %arg4[%reduce_sum3A_534, %dma_start3A_548] : memref<1000000x64xf32, #tpu.memory_space<hbm>> -> memref<1x64xf32, #tpu.memory_space<hbm>>
        %dma_start3A_550 = tpu.memref_squeeze %dma_start3A_549 : memref<1x64xf32, #tpu.memory_space<hbm>> -> memref<64xf32, #tpu.memory_space<hbm>>
        tpu.enqueue_dma source(%dma_start3A_550 : memref<64xf32, #tpu.memory_space<hbm>>) target(%dma_start3A_547 : memref<64xf32, #tpu.memory_space<vmem>>) target_semaphore(%arg12 : memref<!tpu.dma_semaphore, #tpu.memory_space<semaphore_mem>>)
        %eq3A_551 = arith.constant 10 : i32
        %eq3A_552 = vector.broadcast %eq3A_551 : i32 to vector<16xi32>
        %eq3A_553 = arith.cmpi eq, %iota3A, %eq3A_552 : vector<16xi32>
        %select_n3A_554 = arith.select %eq3A_553, %get3A_50, %broadcast_in_dim3A_3 : vector<16xi1>, vector<16xi32>
        %reduce_sum3A_555 = arith.constant true
        %reduce_sum3A_556 = vector.broadcast %reduce_sum3A_555 : i1 to vector<16xi1>
        %reduce_sum3A_557 = tpu.scan <sum>, %select_n3A_554 masked %reduce_sum3A_556 : vector<16xi32>, vector<16xi1> -> vector<16xi32>
        %reduce_sum3A_558 = vector.extract %reduce_sum3A_557[15] : i32 from vector<16xi32>
        %mul3A_559 = arith.constant 16 : i32
        %mul3A_560 = arith.muli %scan3A_41, %mul3A_559 : i32
        %add3A_561 = arith.constant 10 : i32
        %add3A_562 = arith.addi %mul3A_560, %add3A_561 : i32
        %dma_start3A_563 = arith.constant 0 : i32
        %dma_start3A_564 = tpu.memref_slice %arg9[%add3A_562, %dma_start3A_563] : memref<256x64xf32, #tpu.memory_space<vmem>> -> memref<1x64xf32, #tpu.memory_space<vmem>>
        %dma_start3A_565 = tpu.memref_squeeze %dma_start3A_564 : memref<1x64xf32, #tpu.memory_space<vmem>> -> memref<64xf32, #tpu.memory_space<vmem>>
        %dma_start3A_566 = arith.constant 0 : i32
        %dma_start3A_567 = tpu.memref_slice %arg4[%reduce_sum3A_558, %dma_start3A_566] : memref<1000000x64xf32, #tpu.memory_space<hbm>> -> memref<1x64xf32, #tpu.memory_space<hbm>>
        %dma_start3A_568 = tpu.memref_squeeze %dma_start3A_567 : memref<1x64xf32, #tpu.memory_space<hbm>> -> memref<64xf32, #tpu.memory_space<hbm>>
        %dma_start3A_569 = arith.constant 0 : i32
        %dma_start3A_570 = tpu.memref_slice %arg9[%add3A_562, %dma_start3A_569] : memref<256x64xf32, #tpu.memory_space<vmem>> -> memref<1x64xf32, #tpu.memory_space<vmem>>
        %dma_start3A_571 = tpu.memref_squeeze %dma_start3A_570 : memref<1x64xf32, #tpu.memory_space<vmem>> -> memref<64xf32, #tpu.memory_space<vmem>>
        %dma_start3A_572 = arith.constant 0 : i32
        %dma_start3A_573 = tpu.memref_slice %arg4[%reduce_sum3A_558, %dma_start3A_572] : memref<1000000x64xf32, #tpu.memory_space<hbm>> -> memref<1x64xf32, #tpu.memory_space<hbm>>
        %dma_start3A_574 = tpu.memref_squeeze %dma_start3A_573 : memref<1x64xf32, #tpu.memory_space<hbm>> -> memref<64xf32, #tpu.memory_space<hbm>>
        tpu.enqueue_dma source(%dma_start3A_574 : memref<64xf32, #tpu.memory_space<hbm>>) target(%dma_start3A_571 : memref<64xf32, #tpu.memory_space<vmem>>) target_semaphore(%arg13 : memref<!tpu.dma_semaphore, #tpu.memory_space<semaphore_mem>>)
        %eq3A_575 = arith.constant 11 : i32
        %eq3A_576 = vector.broadcast %eq3A_575 : i32 to vector<16xi32>
        %eq3A_577 = arith.cmpi eq, %iota3A, %eq3A_576 : vector<16xi32>
        %select_n3A_578 = arith.select %eq3A_577, %get3A_45, %broadcast_in_dim3A_3 : vector<16xi1>, vector<16xi32>
        %reduce_sum3A_579 = arith.constant true
        %reduce_sum3A_580 = vector.broadcast %reduce_sum3A_579 : i1 to vector<16xi1>
        %reduce_sum3A_581 = tpu.scan <sum>, %select_n3A_578 masked %reduce_sum3A_580 : vector<16xi32>, vector<16xi1> -> vector<16xi32>
        %reduce_sum3A_582 = vector.extract %reduce_sum3A_581[15] : i32 from vector<16xi32>
        %mul3A_583 = arith.constant 16 : i32
        %mul3A_584 = arith.muli %scan3A_41, %mul3A_583 : i32
        %add3A_585 = arith.constant 11 : i32
        %add3A_586 = arith.addi %mul3A_584, %add3A_585 : i32
        %dma_start3A_587 = arith.constant 0 : i32
        %dma_start3A_588 = tpu.memref_slice %arg8[%add3A_586, %dma_start3A_587] : memref<256x64xf32, #tpu.memory_space<vmem>> -> memref<1x64xf32, #tpu.memory_space<vmem>>
        %dma_start3A_589 = tpu.memref_squeeze %dma_start3A_588 : memref<1x64xf32, #tpu.memory_space<vmem>> -> memref<64xf32, #tpu.memory_space<vmem>>
        %dma_start3A_590 = arith.constant 0 : i32
        %dma_start3A_591 = tpu.memref_slice %arg4[%reduce_sum3A_582, %dma_start3A_590] : memref<1000000x64xf32, #tpu.memory_space<hbm>> -> memref<1x64xf32, #tpu.memory_space<hbm>>
        %dma_start3A_592 = tpu.memref_squeeze %dma_start3A_591 : memref<1x64xf32, #tpu.memory_space<hbm>> -> memref<64xf32, #tpu.memory_space<hbm>>
        %dma_start3A_593 = arith.constant 0 : i32
        %dma_start3A_594 = tpu.memref_slice %arg8[%add3A_586, %dma_start3A_593] : memref<256x64xf32, #tpu.memory_space<vmem>> -> memref<1x64xf32, #tpu.memory_space<vmem>>
        %dma_start3A_595 = tpu.memref_squeeze %dma_start3A_594 : memref<1x64xf32, #tpu.memory_space<vmem>> -> memref<64xf32, #tpu.memory_space<vmem>>
        %dma_start3A_596 = arith.constant 0 : i32
        %dma_start3A_597 = tpu.memref_slice %arg4[%reduce_sum3A_582, %dma_start3A_596] : memref<1000000x64xf32, #tpu.memory_space<hbm>> -> memref<1x64xf32, #tpu.memory_space<hbm>>
        %dma_start3A_598 = tpu.memref_squeeze %dma_start3A_597 : memref<1x64xf32, #tpu.memory_space<hbm>> -> memref<64xf32, #tpu.memory_space<hbm>>
        tpu.enqueue_dma source(%dma_start3A_598 : memref<64xf32, #tpu.memory_space<hbm>>) target(%dma_start3A_595 : memref<64xf32, #tpu.memory_space<vmem>>) target_semaphore(%arg12 : memref<!tpu.dma_semaphore, #tpu.memory_space<semaphore_mem>>)
        %eq3A_599 = arith.constant 11 : i32
        %eq3A_600 = vector.broadcast %eq3A_599 : i32 to vector<16xi32>
        %eq3A_601 = arith.cmpi eq, %iota3A, %eq3A_600 : vector<16xi32>
        %select_n3A_602 = arith.select %eq3A_601, %get3A_50, %broadcast_in_dim3A_3 : vector<16xi1>, vector<16xi32>
        %reduce_sum3A_603 = arith.constant true
        %reduce_sum3A_604 = vector.broadcast %reduce_sum3A_603 : i1 to vector<16xi1>
        %reduce_sum3A_605 = tpu.scan <sum>, %select_n3A_602 masked %reduce_sum3A_604 : vector<16xi32>, vector<16xi1> -> vector<16xi32>
        %reduce_sum3A_606 = vector.extract %reduce_sum3A_605[15] : i32 from vector<16xi32>
        %mul3A_607 = arith.constant 16 : i32
        %mul3A_608 = arith.muli %scan3A_41, %mul3A_607 : i32
        %add3A_609 = arith.constant 11 : i32
        %add3A_610 = arith.addi %mul3A_608, %add3A_609 : i32
        %dma_start3A_611 = arith.constant 0 : i32
        %dma_start3A_612 = tpu.memref_slice %arg9[%add3A_610, %dma_start3A_611] : memref<256x64xf32, #tpu.memory_space<vmem>> -> memref<1x64xf32, #tpu.memory_space<vmem>>
        %dma_start3A_613 = tpu.memref_squeeze %dma_start3A_612 : memref<1x64xf32, #tpu.memory_space<vmem>> -> memref<64xf32, #tpu.memory_space<vmem>>
        %dma_start3A_614 = arith.constant 0 : i32
        %dma_start3A_615 = tpu.memref_slice %arg4[%reduce_sum3A_606, %dma_start3A_614] : memref<1000000x64xf32, #tpu.memory_space<hbm>> -> memref<1x64xf32, #tpu.memory_space<hbm>>
        %dma_start3A_616 = tpu.memref_squeeze %dma_start3A_615 : memref<1x64xf32, #tpu.memory_space<hbm>> -> memref<64xf32, #tpu.memory_space<hbm>>
        %dma_start3A_617 = arith.constant 0 : i32
        %dma_start3A_618 = tpu.memref_slice %arg9[%add3A_610, %dma_start3A_617] : memref<256x64xf32, #tpu.memory_space<vmem>> -> memref<1x64xf32, #tpu.memory_space<vmem>>
        %dma_start3A_619 = tpu.memref_squeeze %dma_start3A_618 : memref<1x64xf32, #tpu.memory_space<vmem>> -> memref<64xf32, #tpu.memory_space<vmem>>
        %dma_start3A_620 = arith.constant 0 : i32
        %dma_start3A_621 = tpu.memref_slice %arg4[%reduce_sum3A_606, %dma_start3A_620] : memref<1000000x64xf32, #tpu.memory_space<hbm>> -> memref<1x64xf32, #tpu.memory_space<hbm>>
        %dma_start3A_622 = tpu.memref_squeeze %dma_start3A_621 : memref<1x64xf32, #tpu.memory_space<hbm>> -> memref<64xf32, #tpu.memory_space<hbm>>
        tpu.enqueue_dma source(%dma_start3A_622 : memref<64xf32, #tpu.memory_space<hbm>>) target(%dma_start3A_619 : memref<64xf32, #tpu.memory_space<vmem>>) target_semaphore(%arg13 : memref<!tpu.dma_semaphore, #tpu.memory_space<semaphore_mem>>)
        %eq3A_623 = arith.constant 12 : i32
        %eq3A_624 = vector.broadcast %eq3A_623 : i32 to vector<16xi32>
        %eq3A_625 = arith.cmpi eq, %iota3A, %eq3A_624 : vector<16xi32>
        %select_n3A_626 = arith.select %eq3A_625, %get3A_45, %broadcast_in_dim3A_3 : vector<16xi1>, vector<16xi32>
        %reduce_sum3A_627 = arith.constant true
        %reduce_sum3A_628 = vector.broadcast %reduce_sum3A_627 : i1 to vector<16xi1>
        %reduce_sum3A_629 = tpu.scan <sum>, %select_n3A_626 masked %reduce_sum3A_628 : vector<16xi32>, vector<16xi1> -> vector<16xi32>
        %reduce_sum3A_630 = vector.extract %reduce_sum3A_629[15] : i32 from vector<16xi32>
        %mul3A_631 = arith.constant 16 : i32
        %mul3A_632 = arith.muli %scan3A_41, %mul3A_631 : i32
        %add3A_633 = arith.constant 12 : i32
        %add3A_634 = arith.addi %mul3A_632, %add3A_633 : i32
        %dma_start3A_635 = arith.constant 0 : i32
        %dma_start3A_636 = tpu.memref_slice %arg8[%add3A_634, %dma_start3A_635] : memref<256x64xf32, #tpu.memory_space<vmem>> -> memref<1x64xf32, #tpu.memory_space<vmem>>
        %dma_start3A_637 = tpu.memref_squeeze %dma_start3A_636 : memref<1x64xf32, #tpu.memory_space<vmem>> -> memref<64xf32, #tpu.memory_space<vmem>>
        %dma_start3A_638 = arith.constant 0 : i32
        %dma_start3A_639 = tpu.memref_slice %arg4[%reduce_sum3A_630, %dma_start3A_638] : memref<1000000x64xf32, #tpu.memory_space<hbm>> -> memref<1x64xf32, #tpu.memory_space<hbm>>
        %dma_start3A_640 = tpu.memref_squeeze %dma_start3A_639 : memref<1x64xf32, #tpu.memory_space<hbm>> -> memref<64xf32, #tpu.memory_space<hbm>>
        %dma_start3A_641 = arith.constant 0 : i32
        %dma_start3A_642 = tpu.memref_slice %arg8[%add3A_634, %dma_start3A_641] : memref<256x64xf32, #tpu.memory_space<vmem>> -> memref<1x64xf32, #tpu.memory_space<vmem>>
        %dma_start3A_643 = tpu.memref_squeeze %dma_start3A_642 : memref<1x64xf32, #tpu.memory_space<vmem>> -> memref<64xf32, #tpu.memory_space<vmem>>
        %dma_start3A_644 = arith.constant 0 : i32
        %dma_start3A_645 = tpu.memref_slice %arg4[%reduce_sum3A_630, %dma_start3A_644] : memref<1000000x64xf32, #tpu.memory_space<hbm>> -> memref<1x64xf32, #tpu.memory_space<hbm>>
        %dma_start3A_646 = tpu.memref_squeeze %dma_start3A_645 : memref<1x64xf32, #tpu.memory_space<hbm>> -> memref<64xf32, #tpu.memory_space<hbm>>
        tpu.enqueue_dma source(%dma_start3A_646 : memref<64xf32, #tpu.memory_space<hbm>>) target(%dma_start3A_643 : memref<64xf32, #tpu.memory_space<vmem>>) target_semaphore(%arg12 : memref<!tpu.dma_semaphore, #tpu.memory_space<semaphore_mem>>)
        %eq3A_647 = arith.constant 12 : i32
        %eq3A_648 = vector.broadcast %eq3A_647 : i32 to vector<16xi32>
        %eq3A_649 = arith.cmpi eq, %iota3A, %eq3A_648 : vector<16xi32>
        %select_n3A_650 = arith.select %eq3A_649, %get3A_50, %broadcast_in_dim3A_3 : vector<16xi1>, vector<16xi32>
        %reduce_sum3A_651 = arith.constant true
        %reduce_sum3A_652 = vector.broadcast %reduce_sum3A_651 : i1 to vector<16xi1>
        %reduce_sum3A_653 = tpu.scan <sum>, %select_n3A_650 masked %reduce_sum3A_652 : vector<16xi32>, vector<16xi1> -> vector<16xi32>
        %reduce_sum3A_654 = vector.extract %reduce_sum3A_653[15] : i32 from vector<16xi32>
        %mul3A_655 = arith.constant 16 : i32
        %mul3A_656 = arith.muli %scan3A_41, %mul3A_655 : i32
        %add3A_657 = arith.constant 12 : i32
        %add3A_658 = arith.addi %mul3A_656, %add3A_657 : i32
        %dma_start3A_659 = arith.constant 0 : i32
        %dma_start3A_660 = tpu.memref_slice %arg9[%add3A_658, %dma_start3A_659] : memref<256x64xf32, #tpu.memory_space<vmem>> -> memref<1x64xf32, #tpu.memory_space<vmem>>
        %dma_start3A_661 = tpu.memref_squeeze %dma_start3A_660 : memref<1x64xf32, #tpu.memory_space<vmem>> -> memref<64xf32, #tpu.memory_space<vmem>>
        %dma_start3A_662 = arith.constant 0 : i32
        %dma_start3A_663 = tpu.memref_slice %arg4[%reduce_sum3A_654, %dma_start3A_662] : memref<1000000x64xf32, #tpu.memory_space<hbm>> -> memref<1x64xf32, #tpu.memory_space<hbm>>
        %dma_start3A_664 = tpu.memref_squeeze %dma_start3A_663 : memref<1x64xf32, #tpu.memory_space<hbm>> -> memref<64xf32, #tpu.memory_space<hbm>>
        %dma_start3A_665 = arith.constant 0 : i32
        %dma_start3A_666 = tpu.memref_slice %arg9[%add3A_658, %dma_start3A_665] : memref<256x64xf32, #tpu.memory_space<vmem>> -> memref<1x64xf32, #tpu.memory_space<vmem>>
        %dma_start3A_667 = tpu.memref_squeeze %dma_start3A_666 : memref<1x64xf32, #tpu.memory_space<vmem>> -> memref<64xf32, #tpu.memory_space<vmem>>
        %dma_start3A_668 = arith.constant 0 : i32
        %dma_start3A_669 = tpu.memref_slice %arg4[%reduce_sum3A_654, %dma_start3A_668] : memref<1000000x64xf32, #tpu.memory_space<hbm>> -> memref<1x64xf32, #tpu.memory_space<hbm>>
        %dma_start3A_670 = tpu.memref_squeeze %dma_start3A_669 : memref<1x64xf32, #tpu.memory_space<hbm>> -> memref<64xf32, #tpu.memory_space<hbm>>
        tpu.enqueue_dma source(%dma_start3A_670 : memref<64xf32, #tpu.memory_space<hbm>>) target(%dma_start3A_667 : memref<64xf32, #tpu.memory_space<vmem>>) target_semaphore(%arg13 : memref<!tpu.dma_semaphore, #tpu.memory_space<semaphore_mem>>)
        %eq3A_671 = arith.constant 13 : i32
        %eq3A_672 = vector.broadcast %eq3A_671 : i32 to vector<16xi32>
        %eq3A_673 = arith.cmpi eq, %iota3A, %eq3A_672 : vector<16xi32>
        %select_n3A_674 = arith.select %eq3A_673, %get3A_45, %broadcast_in_dim3A_3 : vector<16xi1>, vector<16xi32>
        %reduce_sum3A_675 = arith.constant true
        %reduce_sum3A_676 = vector.broadcast %reduce_sum3A_675 : i1 to vector<16xi1>
        %reduce_sum3A_677 = tpu.scan <sum>, %select_n3A_674 masked %reduce_sum3A_676 : vector<16xi32>, vector<16xi1> -> vector<16xi32>
        %reduce_sum3A_678 = vector.extract %reduce_sum3A_677[15] : i32 from vector<16xi32>
        %mul3A_679 = arith.constant 16 : i32
        %mul3A_680 = arith.muli %scan3A_41, %mul3A_679 : i32
        %add3A_681 = arith.constant 13 : i32
        %add3A_682 = arith.addi %mul3A_680, %add3A_681 : i32
        %dma_start3A_683 = arith.constant 0 : i32
        %dma_start3A_684 = tpu.memref_slice %arg8[%add3A_682, %dma_start3A_683] : memref<256x64xf32, #tpu.memory_space<vmem>> -> memref<1x64xf32, #tpu.memory_space<vmem>>
        %dma_start3A_685 = tpu.memref_squeeze %dma_start3A_684 : memref<1x64xf32, #tpu.memory_space<vmem>> -> memref<64xf32, #tpu.memory_space<vmem>>
        %dma_start3A_686 = arith.constant 0 : i32
        %dma_start3A_687 = tpu.memref_slice %arg4[%reduce_sum3A_678, %dma_start3A_686] : memref<1000000x64xf32, #tpu.memory_space<hbm>> -> memref<1x64xf32, #tpu.memory_space<hbm>>
        %dma_start3A_688 = tpu.memref_squeeze %dma_start3A_687 : memref<1x64xf32, #tpu.memory_space<hbm>> -> memref<64xf32, #tpu.memory_space<hbm>>
        %dma_start3A_689 = arith.constant 0 : i32
        %dma_start3A_690 = tpu.memref_slice %arg8[%add3A_682, %dma_start3A_689] : memref<256x64xf32, #tpu.memory_space<vmem>> -> memref<1x64xf32, #tpu.memory_space<vmem>>
        %dma_start3A_691 = tpu.memref_squeeze %dma_start3A_690 : memref<1x64xf32, #tpu.memory_space<vmem>> -> memref<64xf32, #tpu.memory_space<vmem>>
        %dma_start3A_692 = arith.constant 0 : i32
        %dma_start3A_693 = tpu.memref_slice %arg4[%reduce_sum3A_678, %dma_start3A_692] : memref<1000000x64xf32, #tpu.memory_space<hbm>> -> memref<1x64xf32, #tpu.memory_space<hbm>>
        %dma_start3A_694 = tpu.memref_squeeze %dma_start3A_693 : memref<1x64xf32, #tpu.memory_space<hbm>> -> memref<64xf32, #tpu.memory_space<hbm>>
        tpu.enqueue_dma source(%dma_start3A_694 : memref<64xf32, #tpu.memory_space<hbm>>) target(%dma_start3A_691 : memref<64xf32, #tpu.memory_space<vmem>>) target_semaphore(%arg12 : memref<!tpu.dma_semaphore, #tpu.memory_space<semaphore_mem>>)
        %eq3A_695 = arith.constant 13 : i32
        %eq3A_696 = vector.broadcast %eq3A_695 : i32 to vector<16xi32>
        %eq3A_697 = arith.cmpi eq, %iota3A, %eq3A_696 : vector<16xi32>
        %select_n3A_698 = arith.select %eq3A_697, %get3A_50, %broadcast_in_dim3A_3 : vector<16xi1>, vector<16xi32>
        %reduce_sum3A_699 = arith.constant true
        %reduce_sum3A_700 = vector.broadcast %reduce_sum3A_699 : i1 to vector<16xi1>
        %reduce_sum3A_701 = tpu.scan <sum>, %select_n3A_698 masked %reduce_sum3A_700 : vector<16xi32>, vector<16xi1> -> vector<16xi32>
        %reduce_sum3A_702 = vector.extract %reduce_sum3A_701[15] : i32 from vector<16xi32>
        %mul3A_703 = arith.constant 16 : i32
        %mul3A_704 = arith.muli %scan3A_41, %mul3A_703 : i32
        %add3A_705 = arith.constant 13 : i32
        %add3A_706 = arith.addi %mul3A_704, %add3A_705 : i32
        %dma_start3A_707 = arith.constant 0 : i32
        %dma_start3A_708 = tpu.memref_slice %arg9[%add3A_706, %dma_start3A_707] : memref<256x64xf32, #tpu.memory_space<vmem>> -> memref<1x64xf32, #tpu.memory_space<vmem>>
        %dma_start3A_709 = tpu.memref_squeeze %dma_start3A_708 : memref<1x64xf32, #tpu.memory_space<vmem>> -> memref<64xf32, #tpu.memory_space<vmem>>
        %dma_start3A_710 = arith.constant 0 : i32
        %dma_start3A_711 = tpu.memref_slice %arg4[%reduce_sum3A_702, %dma_start3A_710] : memref<1000000x64xf32, #tpu.memory_space<hbm>> -> memref<1x64xf32, #tpu.memory_space<hbm>>
        %dma_start3A_712 = tpu.memref_squeeze %dma_start3A_711 : memref<1x64xf32, #tpu.memory_space<hbm>> -> memref<64xf32, #tpu.memory_space<hbm>>
        %dma_start3A_713 = arith.constant 0 : i32
        %dma_start3A_714 = tpu.memref_slice %arg9[%add3A_706, %dma_start3A_713] : memref<256x64xf32, #tpu.memory_space<vmem>> -> memref<1x64xf32, #tpu.memory_space<vmem>>
        %dma_start3A_715 = tpu.memref_squeeze %dma_start3A_714 : memref<1x64xf32, #tpu.memory_space<vmem>> -> memref<64xf32, #tpu.memory_space<vmem>>
        %dma_start3A_716 = arith.constant 0 : i32
        %dma_start3A_717 = tpu.memref_slice %arg4[%reduce_sum3A_702, %dma_start3A_716] : memref<1000000x64xf32, #tpu.memory_space<hbm>> -> memref<1x64xf32, #tpu.memory_space<hbm>>
        %dma_start3A_718 = tpu.memref_squeeze %dma_start3A_717 : memref<1x64xf32, #tpu.memory_space<hbm>> -> memref<64xf32, #tpu.memory_space<hbm>>
        tpu.enqueue_dma source(%dma_start3A_718 : memref<64xf32, #tpu.memory_space<hbm>>) target(%dma_start3A_715 : memref<64xf32, #tpu.memory_space<vmem>>) target_semaphore(%arg13 : memref<!tpu.dma_semaphore, #tpu.memory_space<semaphore_mem>>)
        %eq3A_719 = arith.constant 14 : i32
        %eq3A_720 = vector.broadcast %eq3A_719 : i32 to vector<16xi32>
        %eq3A_721 = arith.cmpi eq, %iota3A, %eq3A_720 : vector<16xi32>
        %select_n3A_722 = arith.select %eq3A_721, %get3A_45, %broadcast_in_dim3A_3 : vector<16xi1>, vector<16xi32>
        %reduce_sum3A_723 = arith.constant true
        %reduce_sum3A_724 = vector.broadcast %reduce_sum3A_723 : i1 to vector<16xi1>
        %reduce_sum3A_725 = tpu.scan <sum>, %select_n3A_722 masked %reduce_sum3A_724 : vector<16xi32>, vector<16xi1> -> vector<16xi32>
        %reduce_sum3A_726 = vector.extract %reduce_sum3A_725[15] : i32 from vector<16xi32>
        %mul3A_727 = arith.constant 16 : i32
        %mul3A_728 = arith.muli %scan3A_41, %mul3A_727 : i32
        %add3A_729 = arith.constant 14 : i32
        %add3A_730 = arith.addi %mul3A_728, %add3A_729 : i32
        %dma_start3A_731 = arith.constant 0 : i32
        %dma_start3A_732 = tpu.memref_slice %arg8[%add3A_730, %dma_start3A_731] : memref<256x64xf32, #tpu.memory_space<vmem>> -> memref<1x64xf32, #tpu.memory_space<vmem>>
        %dma_start3A_733 = tpu.memref_squeeze %dma_start3A_732 : memref<1x64xf32, #tpu.memory_space<vmem>> -> memref<64xf32, #tpu.memory_space<vmem>>
        %dma_start3A_734 = arith.constant 0 : i32
        %dma_start3A_735 = tpu.memref_slice %arg4[%reduce_sum3A_726, %dma_start3A_734] : memref<1000000x64xf32, #tpu.memory_space<hbm>> -> memref<1x64xf32, #tpu.memory_space<hbm>>
        %dma_start3A_736 = tpu.memref_squeeze %dma_start3A_735 : memref<1x64xf32, #tpu.memory_space<hbm>> -> memref<64xf32, #tpu.memory_space<hbm>>
        %dma_start3A_737 = arith.constant 0 : i32
        %dma_start3A_738 = tpu.memref_slice %arg8[%add3A_730, %dma_start3A_737] : memref<256x64xf32, #tpu.memory_space<vmem>> -> memref<1x64xf32, #tpu.memory_space<vmem>>
        %dma_start3A_739 = tpu.memref_squeeze %dma_start3A_738 : memref<1x64xf32, #tpu.memory_space<vmem>> -> memref<64xf32, #tpu.memory_space<vmem>>
        %dma_start3A_740 = arith.constant 0 : i32
        %dma_start3A_741 = tpu.memref_slice %arg4[%reduce_sum3A_726, %dma_start3A_740] : memref<1000000x64xf32, #tpu.memory_space<hbm>> -> memref<1x64xf32, #tpu.memory_space<hbm>>
        %dma_start3A_742 = tpu.memref_squeeze %dma_start3A_741 : memref<1x64xf32, #tpu.memory_space<hbm>> -> memref<64xf32, #tpu.memory_space<hbm>>
        tpu.enqueue_dma source(%dma_start3A_742 : memref<64xf32, #tpu.memory_space<hbm>>) target(%dma_start3A_739 : memref<64xf32, #tpu.memory_space<vmem>>) target_semaphore(%arg12 : memref<!tpu.dma_semaphore, #tpu.memory_space<semaphore_mem>>)
        %eq3A_743 = arith.constant 14 : i32
        %eq3A_744 = vector.broadcast %eq3A_743 : i32 to vector<16xi32>
        %eq3A_745 = arith.cmpi eq, %iota3A, %eq3A_744 : vector<16xi32>
        %select_n3A_746 = arith.select %eq3A_745, %get3A_50, %broadcast_in_dim3A_3 : vector<16xi1>, vector<16xi32>
        %reduce_sum3A_747 = arith.constant true
        %reduce_sum3A_748 = vector.broadcast %reduce_sum3A_747 : i1 to vector<16xi1>
        %reduce_sum3A_749 = tpu.scan <sum>, %select_n3A_746 masked %reduce_sum3A_748 : vector<16xi32>, vector<16xi1> -> vector<16xi32>
        %reduce_sum3A_750 = vector.extract %reduce_sum3A_749[15] : i32 from vector<16xi32>
        %mul3A_751 = arith.constant 16 : i32
        %mul3A_752 = arith.muli %scan3A_41, %mul3A_751 : i32
        %add3A_753 = arith.constant 14 : i32
        %add3A_754 = arith.addi %mul3A_752, %add3A_753 : i32
        %dma_start3A_755 = arith.constant 0 : i32
        %dma_start3A_756 = tpu.memref_slice %arg9[%add3A_754, %dma_start3A_755] : memref<256x64xf32, #tpu.memory_space<vmem>> -> memref<1x64xf32, #tpu.memory_space<vmem>>
        %dma_start3A_757 = tpu.memref_squeeze %dma_start3A_756 : memref<1x64xf32, #tpu.memory_space<vmem>> -> memref<64xf32, #tpu.memory_space<vmem>>
        %dma_start3A_758 = arith.constant 0 : i32
        %dma_start3A_759 = tpu.memref_slice %arg4[%reduce_sum3A_750, %dma_start3A_758] : memref<1000000x64xf32, #tpu.memory_space<hbm>> -> memref<1x64xf32, #tpu.memory_space<hbm>>
        %dma_start3A_760 = tpu.memref_squeeze %dma_start3A_759 : memref<1x64xf32, #tpu.memory_space<hbm>> -> memref<64xf32, #tpu.memory_space<hbm>>
        %dma_start3A_761 = arith.constant 0 : i32
        %dma_start3A_762 = tpu.memref_slice %arg9[%add3A_754, %dma_start3A_761] : memref<256x64xf32, #tpu.memory_space<vmem>> -> memref<1x64xf32, #tpu.memory_space<vmem>>
        %dma_start3A_763 = tpu.memref_squeeze %dma_start3A_762 : memref<1x64xf32, #tpu.memory_space<vmem>> -> memref<64xf32, #tpu.memory_space<vmem>>
        %dma_start3A_764 = arith.constant 0 : i32
        %dma_start3A_765 = tpu.memref_slice %arg4[%reduce_sum3A_750, %dma_start3A_764] : memref<1000000x64xf32, #tpu.memory_space<hbm>> -> memref<1x64xf32, #tpu.memory_space<hbm>>
        %dma_start3A_766 = tpu.memref_squeeze %dma_start3A_765 : memref<1x64xf32, #tpu.memory_space<hbm>> -> memref<64xf32, #tpu.memory_space<hbm>>
        tpu.enqueue_dma source(%dma_start3A_766 : memref<64xf32, #tpu.memory_space<hbm>>) target(%dma_start3A_763 : memref<64xf32, #tpu.memory_space<vmem>>) target_semaphore(%arg13 : memref<!tpu.dma_semaphore, #tpu.memory_space<semaphore_mem>>)
        %eq3A_767 = arith.constant 15 : i32
        %eq3A_768 = vector.broadcast %eq3A_767 : i32 to vector<16xi32>
        %eq3A_769 = arith.cmpi eq, %iota3A, %eq3A_768 : vector<16xi32>
        %select_n3A_770 = arith.select %eq3A_769, %get3A_45, %broadcast_in_dim3A_3 : vector<16xi1>, vector<16xi32>
        %reduce_sum3A_771 = arith.constant true
        %reduce_sum3A_772 = vector.broadcast %reduce_sum3A_771 : i1 to vector<16xi1>
        %reduce_sum3A_773 = tpu.scan <sum>, %select_n3A_770 masked %reduce_sum3A_772 : vector<16xi32>, vector<16xi1> -> vector<16xi32>
        %reduce_sum3A_774 = vector.extract %reduce_sum3A_773[15] : i32 from vector<16xi32>
        %mul3A_775 = arith.constant 16 : i32
        %mul3A_776 = arith.muli %scan3A_41, %mul3A_775 : i32
        %add3A_777 = arith.constant 15 : i32
        %add3A_778 = arith.addi %mul3A_776, %add3A_777 : i32
        %dma_start3A_779 = arith.constant 0 : i32
        %dma_start3A_780 = tpu.memref_slice %arg8[%add3A_778, %dma_start3A_779] : memref<256x64xf32, #tpu.memory_space<vmem>> -> memref<1x64xf32, #tpu.memory_space<vmem>>
        %dma_start3A_781 = tpu.memref_squeeze %dma_start3A_780 : memref<1x64xf32, #tpu.memory_space<vmem>> -> memref<64xf32, #tpu.memory_space<vmem>>
        %dma_start3A_782 = arith.constant 0 : i32
        %dma_start3A_783 = tpu.memref_slice %arg4[%reduce_sum3A_774, %dma_start3A_782] : memref<1000000x64xf32, #tpu.memory_space<hbm>> -> memref<1x64xf32, #tpu.memory_space<hbm>>
        %dma_start3A_784 = tpu.memref_squeeze %dma_start3A_783 : memref<1x64xf32, #tpu.memory_space<hbm>> -> memref<64xf32, #tpu.memory_space<hbm>>
        %dma_start3A_785 = arith.constant 0 : i32
        %dma_start3A_786 = tpu.memref_slice %arg8[%add3A_778, %dma_start3A_785] : memref<256x64xf32, #tpu.memory_space<vmem>> -> memref<1x64xf32, #tpu.memory_space<vmem>>
        %dma_start3A_787 = tpu.memref_squeeze %dma_start3A_786 : memref<1x64xf32, #tpu.memory_space<vmem>> -> memref<64xf32, #tpu.memory_space<vmem>>
        %dma_start3A_788 = arith.constant 0 : i32
        %dma_start3A_789 = tpu.memref_slice %arg4[%reduce_sum3A_774, %dma_start3A_788] : memref<1000000x64xf32, #tpu.memory_space<hbm>> -> memref<1x64xf32, #tpu.memory_space<hbm>>
        %dma_start3A_790 = tpu.memref_squeeze %dma_start3A_789 : memref<1x64xf32, #tpu.memory_space<hbm>> -> memref<64xf32, #tpu.memory_space<hbm>>
        tpu.enqueue_dma source(%dma_start3A_790 : memref<64xf32, #tpu.memory_space<hbm>>) target(%dma_start3A_787 : memref<64xf32, #tpu.memory_space<vmem>>) target_semaphore(%arg12 : memref<!tpu.dma_semaphore, #tpu.memory_space<semaphore_mem>>)
        %eq3A_791 = arith.constant 15 : i32
        %eq3A_792 = vector.broadcast %eq3A_791 : i32 to vector<16xi32>
        %eq3A_793 = arith.cmpi eq, %iota3A, %eq3A_792 : vector<16xi32>
        %select_n3A_794 = arith.select %eq3A_793, %get3A_50, %broadcast_in_dim3A_3 : vector<16xi1>, vector<16xi32>
        %reduce_sum3A_795 = arith.constant true
        %reduce_sum3A_796 = vector.broadcast %reduce_sum3A_795 : i1 to vector<16xi1>
        %reduce_sum3A_797 = tpu.scan <sum>, %select_n3A_794 masked %reduce_sum3A_796 : vector<16xi32>, vector<16xi1> -> vector<16xi32>
        %reduce_sum3A_798 = vector.extract %reduce_sum3A_797[15] : i32 from vector<16xi32>
        %mul3A_799 = arith.constant 16 : i32
        %mul3A_800 = arith.muli %scan3A_41, %mul3A_799 : i32
        %add3A_801 = arith.constant 15 : i32
        %add3A_802 = arith.addi %mul3A_800, %add3A_801 : i32
        %dma_start3A_803 = arith.constant 0 : i32
        %dma_start3A_804 = tpu.memref_slice %arg9[%add3A_802, %dma_start3A_803] : memref<256x64xf32, #tpu.memory_space<vmem>> -> memref<1x64xf32, #tpu.memory_space<vmem>>
        %dma_start3A_805 = tpu.memref_squeeze %dma_start3A_804 : memref<1x64xf32, #tpu.memory_space<vmem>> -> memref<64xf32, #tpu.memory_space<vmem>>
        %dma_start3A_806 = arith.constant 0 : i32
        %dma_start3A_807 = tpu.memref_slice %arg4[%reduce_sum3A_798, %dma_start3A_806] : memref<1000000x64xf32, #tpu.memory_space<hbm>> -> memref<1x64xf32, #tpu.memory_space<hbm>>
        %dma_start3A_808 = tpu.memref_squeeze %dma_start3A_807 : memref<1x64xf32, #tpu.memory_space<hbm>> -> memref<64xf32, #tpu.memory_space<hbm>>
        %dma_start3A_809 = arith.constant 0 : i32
        %dma_start3A_810 = tpu.memref_slice %arg9[%add3A_802, %dma_start3A_809] : memref<256x64xf32, #tpu.memory_space<vmem>> -> memref<1x64xf32, #tpu.memory_space<vmem>>
        %dma_start3A_811 = tpu.memref_squeeze %dma_start3A_810 : memref<1x64xf32, #tpu.memory_space<vmem>> -> memref<64xf32, #tpu.memory_space<vmem>>
        %dma_start3A_812 = arith.constant 0 : i32
        %dma_start3A_813 = tpu.memref_slice %arg4[%reduce_sum3A_798, %dma_start3A_812] : memref<1000000x64xf32, #tpu.memory_space<hbm>> -> memref<1x64xf32, #tpu.memory_space<hbm>>
        %dma_start3A_814 = tpu.memref_squeeze %dma_start3A_813 : memref<1x64xf32, #tpu.memory_space<hbm>> -> memref<64xf32, #tpu.memory_space<hbm>>
        tpu.enqueue_dma source(%dma_start3A_814 : memref<64xf32, #tpu.memory_space<hbm>>) target(%dma_start3A_811 : memref<64xf32, #tpu.memory_space<vmem>>) target_semaphore(%arg13 : memref<!tpu.dma_semaphore, #tpu.memory_space<semaphore_mem>>)
      }
      %scan3A_23 = arith.constant 16 : i32
      %dma_wait3A = arith.constant 0 : i32
      %dma_wait3A_24 = arith.constant 0 : i32
      %dma_wait3A_25 = tpu.memref_slice %arg4[%dma_wait3A, %dma_wait3A_24] : memref<1000000x64xf32, #tpu.memory_space<hbm>> -> memref<256x64xf32, #tpu.memory_space<hbm>>
      %dma_wait3A_26 = arith.constant 0 : i32
      %dma_wait3A_27 = arith.constant 0 : i32
      %dma_wait3A_28 = tpu.memref_slice %arg4[%dma_wait3A_26, %dma_wait3A_27] : memref<1000000x64xf32, #tpu.memory_space<hbm>> -> memref<256x64xf32, #tpu.memory_space<hbm>>
      tpu.wait_dma2 semaphore(%arg12 : memref<!tpu.dma_semaphore, #tpu.memory_space<semaphore_mem>>) src(%dma_wait3A_28 : memref<256x64xf32, #tpu.memory_space<hbm>>) dst(%arg8 : memref<256x64xf32, #tpu.memory_space<vmem>>)
      %dma_wait3A_29 = arith.constant 0 : i32
      %dma_wait3A_30 = arith.constant 0 : i32
      %dma_wait3A_31 = tpu.memref_slice %arg4[%dma_wait3A_29, %dma_wait3A_30] : memref<1000000x64xf32, #tpu.memory_space<hbm>> -> memref<256x64xf32, #tpu.memory_space<hbm>>
      %dma_wait3A_32 = arith.constant 0 : i32
      %dma_wait3A_33 = arith.constant 0 : i32
      %dma_wait3A_34 = tpu.memref_slice %arg4[%dma_wait3A_32, %dma_wait3A_33] : memref<1000000x64xf32, #tpu.memory_space<hbm>> -> memref<256x64xf32, #tpu.memory_space<hbm>>
      tpu.wait_dma2 semaphore(%arg13 : memref<!tpu.dma_semaphore, #tpu.memory_space<semaphore_mem>>) src(%dma_wait3A_34 : memref<256x64xf32, #tpu.memory_space<hbm>>) dst(%arg9 : memref<256x64xf32, #tpu.memory_space<vmem>>)
      %scan3A_35 = arith.constant 0 : i32
      %scan3A_36 = arith.constant 0 : i32
      %scan3A_37 = arith.constant 256 : i32
      %scan3A_38 = arith.addi %scan3A_36, %scan3A_37 : i32
      %scan3A_39 = arith.constant 1 : i32
      scf.for %scan3A_41 = %scan3A_36 to %scan3A_38 step %scan3A_39  : i32 {
        %get3A = arith.index_cast %scan3A_41 : i32 to index
        %get3A_42 = arith.constant 0 : index
        %get3A_43 = tpu.vector_load %arg8[%get3A, %get3A_42] {strides = array<i32>} : memref<256x64xf32, #tpu.memory_space<vmem>>, vector<16xf32>,
        %get3A_44 = arith.index_cast %scan3A_41 : i32 to index
        %get3A_45 = arith.constant 0 : index
        %get3A_46 = tpu.vector_load %arg9[%get3A_44, %get3A_45] {strides = array<i32>} : memref<256x64xf32, #tpu.memory_space<vmem>>, vector<16xf32>,
        %mul3A_47 = arith.mulf %get3A_43, %get3A_46 : vector<16xf32>
        %get3A_48 = arith.index_cast %scan3A_41 : i32 to index
        %get3A_49 = arith.constant 16 : index
        %get3A_50 = tpu.vector_load %arg8[%get3A_48, %get3A_49] {strides = array<i32>} : memref<256x64xf32, #tpu.memory_space<vmem>>, vector<16xf32>,
        %get3A_51 = arith.index_cast %scan3A_41 : i32 to index
        %get3A_52 = arith.constant 16 : index
        %get3A_53 = tpu.vector_load %arg9[%get3A_51, %get3A_52] {strides = array<i32>} : memref<256x64xf32, #tpu.memory_space<vmem>>, vector<16xf32>,
        %mul3A_54 = arith.mulf %get3A_50, %get3A_53 : vector<16xf32>
        %add3A_55 = arith.addf %mul3A_47, %mul3A_54 : vector<16xf32>
        %get3A_56 = arith.index_cast %scan3A_41 : i32 to index
        %get3A_57 = arith.constant 32 : index
        %get3A_58 = tpu.vector_load %arg8[%get3A_56, %get3A_57] {strides = array<i32>} : memref<256x64xf32, #tpu.memory_space<vmem>>, vector<16xf32>,
        %get3A_59 = arith.index_cast %scan3A_41 : i32 to index
        %get3A_60 = arith.constant 32 : index
        %get3A_61 = tpu.vector_load %arg9[%get3A_59, %get3A_60] {strides = array<i32>} : memref<256x64xf32, #tpu.memory_space<vmem>>, vector<16xf32>,
        %mul3A_62 = arith.mulf %get3A_58, %get3A_61 : vector<16xf32>
        %add3A_63 = arith.addf %add3A_55, %mul3A_62 : vector<16xf32>
        %get3A_64 = arith.index_cast %scan3A_41 : i32 to index
        %get3A_65 = arith.constant 48 : index
        %get3A_66 = tpu.vector_load %arg8[%get3A_64, %get3A_65] {strides = array<i32>} : memref<256x64xf32, #tpu.memory_space<vmem>>, vector<16xf32>,
        %get3A_67 = arith.index_cast %scan3A_41 : i32 to index
        %get3A_68 = arith.constant 48 : index
        %get3A_69 = tpu.vector_load %arg9[%get3A_67, %get3A_68] {strides = array<i32>} : memref<256x64xf32, #tpu.memory_space<vmem>>, vector<16xf32>,
        %mul3A_70 = arith.mulf %get3A_66, %get3A_69 : vector<16xf32>
        %add3A_71 = arith.addf %add3A_63, %mul3A_70 : vector<16xf32>
        %add3A_72 = arith.addi %mul3A_17, %scan3A_41 : i32
        %mul3A_73 = arith.constant 16 : i32
        %mul3A_74 = arith.muli %add3A_72, %mul3A_73 : i32
        %swap3A = arith.index_cast %mul3A_74 : i32 to index
        %swap3A_75 = tpu.vector_load %arg10[%swap3A] {strides = array<i32>} : memref<8192xf32, #tpu.memory_space<vmem>>, vector<16xf32>,
        tpu.vector_store %arg10[%swap3A], %add3A_71 {strides = array<i32>} : memref<8192xf32, #tpu.memory_space<vmem>>, vector<16xf32>,
      }
      %scan3A_40 = arith.constant 256 : i32
    }
    %scan3A_8 = arith.constant 2 : i32
    %scan3A_9 = arith.constant 0 : i32
    %scan3A_10 = arith.constant 0 : i32
    %scan3A_11 = arith.constant 32 : i32
    %scan3A_12 = arith.addi %scan3A_10, %scan3A_11 : i32
    %scan3A_13 = arith.constant 1 : i32
    scf.for %scan3A_15 = %scan3A_10 to %scan3A_12 step %scan3A_13  : i32 {
      %mul3A_16 = arith.constant 256 : i32
      %mul3A_17 = arith.muli %scan3A_15, %mul3A_16 : i32
      %mul3A_18 = arith.constant 16 : i32
      %mul3A_19 = vector.broadcast %mul3A_18 : i32 to vector<16xi32>
      %mul3A_20 = arith.muli %iota3A, %mul3A_19 : vector<16xi32>
      %add3A_21 = vector.broadcast %mul3A_17 : i32 to vector<16xi32>
      %add3A_22 = arith.addi %add3A_21, %mul3A_20 : vector<16xi32>
      %gather3A = tpu.vector_load_idx %arg10[%add3A_22] : memref<8192xf32, #tpu.memory_space<vmem>>[vector<16xi32>], vector<16xf32>,
      %mul3A_23 = arith.constant 16 : i32
      %mul3A_24 = vector.broadcast %mul3A_23 : i32 to vector<16xi32>
      %mul3A_25 = arith.muli %iota3A, %mul3A_24 : vector<16xi32>
      %add3A_26 = vector.broadcast %mul3A_17 : i32 to vector<16xi32>
      %add3A_27 = arith.addi %add3A_26, %mul3A_25 : vector<16xi32>
      %add3A_28 = arith.constant 1 : i32
      %add3A_29 = vector.broadcast %add3A_28 : i32 to vector<16xi32>
      %add3A_30 = arith.addi %add3A_27, %add3A_29 : vector<16xi32>
      %gather3A_31 = tpu.vector_load_idx %arg10[%add3A_30] : memref<8192xf32, #tpu.memory_space<vmem>>[vector<16xi32>], vector<16xf32>,
      %add3A_32 = arith.addf %gather3A, %gather3A_31 : vector<16xf32>
      %mul3A_33 = arith.constant 16 : i32
      %mul3A_34 = vector.broadcast %mul3A_33 : i32 to vector<16xi32>
      %mul3A_35 = arith.muli %iota3A, %mul3A_34 : vector<16xi32>
      %add3A_36 = vector.broadcast %mul3A_17 : i32 to vector<16xi32>
      %add3A_37 = arith.addi %add3A_36, %mul3A_35 : vector<16xi32>
      %add3A_38 = arith.constant 2 : i32
      %add3A_39 = vector.broadcast %add3A_38 : i32 to vector<16xi32>
      %add3A_40 = arith.addi %add3A_37, %add3A_39 : vector<16xi32>
      %gather3A_41 = tpu.vector_load_idx %arg10[%add3A_40] : memref<8192xf32, #tpu.memory_space<vmem>>[vector<16xi32>], vector<16xf32>,
      %add3A_42 = arith.addf %add3A_32, %gather3A_41 : vector<16xf32>
      %mul3A_43 = arith.constant 16 : i32
      %mul3A_44 = vector.broadcast %mul3A_43 : i32 to vector<16xi32>
      %mul3A_45 = arith.muli %iota3A, %mul3A_44 : vector<16xi32>
      %add3A_46 = vector.broadcast %mul3A_17 : i32 to vector<16xi32>
      %add3A_47 = arith.addi %add3A_46, %mul3A_45 : vector<16xi32>
      %add3A_48 = arith.constant 3 : i32
      %add3A_49 = vector.broadcast %add3A_48 : i32 to vector<16xi32>
      %add3A_50 = arith.addi %add3A_47, %add3A_49 : vector<16xi32>
      %gather3A_51 = tpu.vector_load_idx %arg10[%add3A_50] : memref<8192xf32, #tpu.memory_space<vmem>>[vector<16xi32>], vector<16xf32>,
      %add3A_52 = arith.addf %add3A_42, %gather3A_51 : vector<16xf32>
      %mul3A_53 = arith.constant 16 : i32
      %mul3A_54 = vector.broadcast %mul3A_53 : i32 to vector<16xi32>
      %mul3A_55 = arith.muli %iota3A, %mul3A_54 : vector<16xi32>
      %add3A_56 = vector.broadcast %mul3A_17 : i32 to vector<16xi32>
      %add3A_57 = arith.addi %add3A_56, %mul3A_55 : vector<16xi32>
      %add3A_58 = arith.constant 4 : i32
      %add3A_59 = vector.broadcast %add3A_58 : i32 to vector<16xi32>
      %add3A_60 = arith.addi %add3A_57, %add3A_59 : vector<16xi32>
      %gather3A_61 = tpu.vector_load_idx %arg10[%add3A_60] : memref<8192xf32, #tpu.memory_space<vmem>>[vector<16xi32>], vector<16xf32>,
      %add3A_62 = arith.addf %add3A_52, %gather3A_61 : vector<16xf32>
      %mul3A_63 = arith.constant 16 : i32
      %mul3A_64 = vector.broadcast %mul3A_63 : i32 to vector<16xi32>
      %mul3A_65 = arith.muli %iota3A, %mul3A_64 : vector<16xi32>
      %add3A_66 = vector.broadcast %mul3A_17 : i32 to vector<16xi32>
      %add3A_67 = arith.addi %add3A_66, %mul3A_65 : vector<16xi32>
      %add3A_68 = arith.constant 5 : i32
      %add3A_69 = vector.broadcast %add3A_68 : i32 to vector<16xi32>
      %add3A_70 = arith.addi %add3A_67, %add3A_69 : vector<16xi32>
      %gather3A_71 = tpu.vector_load_idx %arg10[%add3A_70] : memref<8192xf32, #tpu.memory_space<vmem>>[vector<16xi32>], vector<16xf32>,
      %add3A_72 = arith.addf %add3A_62, %gather3A_71 : vector<16xf32>
      %mul3A_73 = arith.constant 16 : i32
      %mul3A_74 = vector.broadcast %mul3A_73 : i32 to vector<16xi32>
      %mul3A_75 = arith.muli %iota3A, %mul3A_74 : vector<16xi32>
      %add3A_76 = vector.broadcast %mul3A_17 : i32 to vector<16xi32>
      %add3A_77 = arith.addi %add3A_76, %mul3A_75 : vector<16xi32>
      %add3A_78 = arith.constant 6 : i32
      %add3A_79 = vector.broadcast %add3A_78 : i32 to vector<16xi32>
      %add3A_80 = arith.addi %add3A_77, %add3A_79 : vector<16xi32>
      %gather3A_81 = tpu.vector_load_idx %arg10[%add3A_80] : memref<8192xf32, #tpu.memory_space<vmem>>[vector<16xi32>], vector<16xf32>,
      %add3A_82 = arith.addf %add3A_72, %gather3A_81 : vector<16xf32>
      %mul3A_83 = arith.constant 16 : i32
      %mul3A_84 = vector.broadcast %mul3A_83 : i32 to vector<16xi32>
      %mul3A_85 = arith.muli %iota3A, %mul3A_84 : vector<16xi32>
      %add3A_86 = vector.broadcast %mul3A_17 : i32 to vector<16xi32>
      %add3A_87 = arith.addi %add3A_86, %mul3A_85 : vector<16xi32>
      %add3A_88 = arith.constant 7 : i32
      %add3A_89 = vector.broadcast %add3A_88 : i32 to vector<16xi32>
      %add3A_90 = arith.addi %add3A_87, %add3A_89 : vector<16xi32>
      %gather3A_91 = tpu.vector_load_idx %arg10[%add3A_90] : memref<8192xf32, #tpu.memory_space<vmem>>[vector<16xi32>], vector<16xf32>,
      %add3A_92 = arith.addf %add3A_82, %gather3A_91 : vector<16xf32>
      %mul3A_93 = arith.constant 16 : i32
      %mul3A_94 = vector.broadcast %mul3A_93 : i32 to vector<16xi32>
      %mul3A_95 = arith.muli %iota3A, %mul3A_94 : vector<16xi32>
      %add3A_96 = vector.broadcast %mul3A_17 : i32 to vector<16xi32>
      %add3A_97 = arith.addi %add3A_96, %mul3A_95 : vector<16xi32>
      %add3A_98 = arith.constant 8 : i32
      %add3A_99 = vector.broadcast %add3A_98 : i32 to vector<16xi32>
      %add3A_100 = arith.addi %add3A_97, %add3A_99 : vector<16xi32>
      %gather3A_101 = tpu.vector_load_idx %arg10[%add3A_100] : memref<8192xf32, #tpu.memory_space<vmem>>[vector<16xi32>], vector<16xf32>,
      %add3A_102 = arith.addf %add3A_92, %gather3A_101 : vector<16xf32>
      %mul3A_103 = arith.constant 16 : i32
      %mul3A_104 = vector.broadcast %mul3A_103 : i32 to vector<16xi32>
      %mul3A_105 = arith.muli %iota3A, %mul3A_104 : vector<16xi32>
      %add3A_106 = vector.broadcast %mul3A_17 : i32 to vector<16xi32>
      %add3A_107 = arith.addi %add3A_106, %mul3A_105 : vector<16xi32>
      %add3A_108 = arith.constant 9 : i32
      %add3A_109 = vector.broadcast %add3A_108 : i32 to vector<16xi32>
      %add3A_110 = arith.addi %add3A_107, %add3A_109 : vector<16xi32>
      %gather3A_111 = tpu.vector_load_idx %arg10[%add3A_110] : memref<8192xf32, #tpu.memory_space<vmem>>[vector<16xi32>], vector<16xf32>,
      %add3A_112 = arith.addf %add3A_102, %gather3A_111 : vector<16xf32>
      %mul3A_113 = arith.constant 16 : i32
      %mul3A_114 = vector.broadcast %mul3A_113 : i32 to vector<16xi32>
      %mul3A_115 = arith.muli %iota3A, %mul3A_114 : vector<16xi32>
      %add3A_116 = vector.broadcast %mul3A_17 : i32 to vector<16xi32>
      %add3A_117 = arith.addi %add3A_116, %mul3A_115 : vector<16xi32>
      %add3A_118 = arith.constant 10 : i32
      %add3A_119 = vector.broadcast %add3A_118 : i32 to vector<16xi32>
      %add3A_120 = arith.addi %add3A_117, %add3A_119 : vector<16xi32>
      %gather3A_121 = tpu.vector_load_idx %arg10[%add3A_120] : memref<8192xf32, #tpu.memory_space<vmem>>[vector<16xi32>], vector<16xf32>,
      %add3A_122 = arith.addf %add3A_112, %gather3A_121 : vector<16xf32>
      %mul3A_123 = arith.constant 16 : i32
      %mul3A_124 = vector.broadcast %mul3A_123 : i32 to vector<16xi32>
      %mul3A_125 = arith.muli %iota3A, %mul3A_124 : vector<16xi32>
      %add3A_126 = vector.broadcast %mul3A_17 : i32 to vector<16xi32>
      %add3A_127 = arith.addi %add3A_126, %mul3A_125 : vector<16xi32>
      %add3A_128 = arith.constant 11 : i32
      %add3A_129 = vector.broadcast %add3A_128 : i32 to vector<16xi32>
      %add3A_130 = arith.addi %add3A_127, %add3A_129 : vector<16xi32>
      %gather3A_131 = tpu.vector_load_idx %arg10[%add3A_130] : memref<8192xf32, #tpu.memory_space<vmem>>[vector<16xi32>], vector<16xf32>,
      %add3A_132 = arith.addf %add3A_122, %gather3A_131 : vector<16xf32>
      %mul3A_133 = arith.constant 16 : i32
      %mul3A_134 = vector.broadcast %mul3A_133 : i32 to vector<16xi32>
      %mul3A_135 = arith.muli %iota3A, %mul3A_134 : vector<16xi32>
      %add3A_136 = vector.broadcast %mul3A_17 : i32 to vector<16xi32>
      %add3A_137 = arith.addi %add3A_136, %mul3A_135 : vector<16xi32>
      %add3A_138 = arith.constant 12 : i32
      %add3A_139 = vector.broadcast %add3A_138 : i32 to vector<16xi32>
      %add3A_140 = arith.addi %add3A_137, %add3A_139 : vector<16xi32>
      %gather3A_141 = tpu.vector_load_idx %arg10[%add3A_140] : memref<8192xf32, #tpu.memory_space<vmem>>[vector<16xi32>], vector<16xf32>,
      %add3A_142 = arith.addf %add3A_132, %gather3A_141 : vector<16xf32>
      %mul3A_143 = arith.constant 16 : i32
      %mul3A_144 = vector.broadcast %mul3A_143 : i32 to vector<16xi32>
      %mul3A_145 = arith.muli %iota3A, %mul3A_144 : vector<16xi32>
      %add3A_146 = vector.broadcast %mul3A_17 : i32 to vector<16xi32>
      %add3A_147 = arith.addi %add3A_146, %mul3A_145 : vector<16xi32>
      %add3A_148 = arith.constant 13 : i32
      %add3A_149 = vector.broadcast %add3A_148 : i32 to vector<16xi32>
      %add3A_150 = arith.addi %add3A_147, %add3A_149 : vector<16xi32>
      %gather3A_151 = tpu.vector_load_idx %arg10[%add3A_150] : memref<8192xf32, #tpu.memory_space<vmem>>[vector<16xi32>], vector<16xf32>,
      %add3A_152 = arith.addf %add3A_142, %gather3A_151 : vector<16xf32>
      %mul3A_153 = arith.constant 16 : i32
      %mul3A_154 = vector.broadcast %mul3A_153 : i32 to vector<16xi32>
      %mul3A_155 = arith.muli %iota3A, %mul3A_154 : vector<16xi32>
      %add3A_156 = vector.broadcast %mul3A_17 : i32 to vector<16xi32>
      %add3A_157 = arith.addi %add3A_156, %mul3A_155 : vector<16xi32>
      %add3A_158 = arith.constant 14 : i32
      %add3A_159 = vector.broadcast %add3A_158 : i32 to vector<16xi32>
      %add3A_160 = arith.addi %add3A_157, %add3A_159 : vector<16xi32>
      %gather3A_161 = tpu.vector_load_idx %arg10[%add3A_160] : memref<8192xf32, #tpu.memory_space<vmem>>[vector<16xi32>], vector<16xf32>,
      %add3A_162 = arith.addf %add3A_152, %gather3A_161 : vector<16xf32>
      %mul3A_163 = arith.constant 16 : i32
      %mul3A_164 = vector.broadcast %mul3A_163 : i32 to vector<16xi32>
      %mul3A_165 = arith.muli %iota3A, %mul3A_164 : vector<16xi32>
      %add3A_166 = vector.broadcast %mul3A_17 : i32 to vector<16xi32>
      %add3A_167 = arith.addi %add3A_166, %mul3A_165 : vector<16xi32>
      %add3A_168 = arith.constant 15 : i32
      %add3A_169 = vector.broadcast %add3A_168 : i32 to vector<16xi32>
      %add3A_170 = arith.addi %add3A_167, %add3A_169 : vector<16xi32>
      %gather3A_171 = tpu.vector_load_idx %arg10[%add3A_170] : memref<8192xf32, #tpu.memory_space<vmem>>[vector<16xi32>], vector<16xf32>,
      %add3A_172 = arith.addf %add3A_162, %gather3A_171 : vector<16xf32>
      %mul3A_173 = arith.constant 16 : i32
      %mul3A_174 = arith.muli %scan3A_15, %mul3A_173 : i32
      %swap3A = arith.index_cast %mul3A_174 : i32 to index
      %swap3A_175 = tpu.vector_load %arg11[%swap3A] {strides = array<i32>} : memref<512xf32, #tpu.memory_space<vmem>>, vector<16xf32>,
      tpu.vector_store %arg11[%swap3A], %add3A_172 {strides = array<i32>} : memref<512xf32, #tpu.memory_space<vmem>>, vector<16xf32>,
    }
    %scan3A_14 = arith.constant 32 : i32
    "tpu.region"() ({
      %run_scoped3A = tpu.sem_alloc : memref<!tpu.dma_semaphore, #tpu.memory_space<semaphore_mem>>
      %dma_start3A = tpu.memref_slice %arg5[%mul3A_2] : memref<16384xf32, #tpu.memory_space<hbm>> -> memref<512xf32, #tpu.memory_space<hbm>>
      %dma_start3A_15 = tpu.memref_slice %arg5[%mul3A_2] : memref<16384xf32, #tpu.memory_space<hbm>> -> memref<512xf32, #tpu.memory_space<hbm>>
      tpu.enqueue_dma source(%arg11 : memref<512xf32, #tpu.memory_space<vmem>>) target(%dma_start3A_15 : memref<512xf32, #tpu.memory_space<hbm>>) target_semaphore(%run_scoped3A : memref<!tpu.dma_semaphore, #tpu.memory_space<semaphore_mem>>)
      %dma_wait3A = tpu.memref_slice %arg5[%mul3A_2] : memref<16384xf32, #tpu.memory_space<hbm>> -> memref<512xf32, #tpu.memory_space<hbm>>
      %dma_wait3A_16 = tpu.memref_slice %arg5[%mul3A_2] : memref<16384xf32, #tpu.memory_space<hbm>> -> memref<512xf32, #tpu.memory_space<hbm>>
      tpu.wait_dma2 semaphore(%run_scoped3A : memref<!tpu.dma_semaphore, #tpu.memory_space<semaphore_mem>>) src(%arg11 : memref<512xf32, #tpu.memory_space<vmem>>) dst(%dma_wait3A_16 : memref<512xf32, #tpu.memory_space<hbm>>)
      tpu.yield
    }) : () -> ()
    return
  }
}

</mosaic_0001>

<sc_bundles>
// kernel: kernel.3.cloned.1.call-start
scs
__scs_entry_jumppad:
0x0: {  	(pc) =	sbr.rel $0x88, $3  }
0x1: {  	(tag) =	ssettag $0x0;
	lr =	simm.s32 $0x1  }
0x2: {  	[smem:$0x3F9E] =	sst lr;
	_ =	strace $0xD0000000  }
0x3: {  	_ = 	snop  }
0x4: {  	_ = 	snop  }
0x5: {  	_ = 	snop  }
0x6: {  	_ = 	snop  }
0x7: {  	_ = 	snop  }
__scs_overlays_trampoline_lowered:
0x8: {  	[smem:$0x3FAD] =	sst s0  }
0x9: {  	[smem:$0x3FAE] =	sst s1  }
0xa: {  	[smem:$0x3FAF] =	sst s2  }
0xb: {  	[smem:$0x3FB0] =	sst s3  }
0xc: {  	[smem:$0x3FB1] =	sst s4  }
0xd: {  	[smem:$0x3FB2] =	sst s5  }
0xe: {  	[smem:$0x3FB3] =	sst s6  }
0xf: {  	[smem:$0x3FB4] =	sst s7  }
0x10: {  	[smem:$0x3FB5] =	sst s8  }
0x11: {  	[smem:$0x3FB6] =	sst s9;
	s0 =	simm.s32 @!p0 $0x0  }
0x12: {  	s1 =	sld [smem:$0x3F9C];
	s0 =	simm.s32 @p0 $0x1  }
0x13: {  	[smem:$0x3FB7] =	sst s0;
	s0 =	simm.s32 @!p1 $0x0  }
0x14: {  	s2 =	sld [smem:$0x3F9B];
	s0 =	simm.s32 @p1 $0x1  }
0x15: {  	[smem:$0x3FB8] =	sst s0;
	s0 =	simm.s32 @!p2 $0x0  }
0x16: {  	s3 =	sld [smem:$0x3FDB];
	s0 =	simm.s32 @p2 $0x1  }
0x17: {  	s4 =	simm.s32 $0x1BF5;
	[smem:$0x3FBA] =	sst s0  }
0x18: {  	s0 =	sld [smem:$0x3F9D];
	_ =	swait.ge [sflag:s4], $0x0  }
0x19: {  	s7 =	sld [smem:$0x3F9E]  }
0x1a: {  	s8 =	sadd.s32 $0xFFFFE003, lr  }
0x1b: {  	s9 =	sadd.s32 $0xFFFFFEF7, lr;
	s5 =	simm.s32 $0xFFFFFFFF;
	p2 =	slt.u32 s8, $0xFFFFF086  }
0x1c: {  	p1 =	slt.u32 s9, $0xF7A;
	s5 =	simm.s32 @!p2 $0x0  }
0x1d: {  	s5 =	simm.s32 @p1 $0x1;
	p0 =	seq.s32 s7, s2  }
0x1e: {  	s7 =	smul.u32 @!p0 $0xF7A, s2;
	p2 =	seq.s32 @!p0 s5, $0x0  }
0x1f: {  	s9 =	smul.u32 $0xF7A, s1;
	s8 =	simm.s32 @!p0 $0x1BF5;
	p2 =	por !p2, p0  }
0x20: {  	[sflag:s8] =	ssyncset.s32 @!p0 $0xFFFFF086;
	s6 =	sadd.s32 @!p0 s3, s7;
	s7 =	simm.s32 @!p0 $0x108  }
0x21: {  	s3 =	sadd.s32 s3, s9;
	s6 =	sadd.s32 @!p0 $0x88, s6;
	s7 =	simm.s32 @p2 $0x1082  }
0x22: {  	[simem:s7], [sflag:s8] =	dma.local @!p0 [hbm:s6], $0xF7A  }
0x23: {  	s9 =	sor.u32 $0xD0000000, s2;
	s6 =	simm.s32 $0x108;
	_ =	swait.ge @!p0 [sflag:s8], $0x0  }
0x24: {  	s3 =	sadd.s32 $0x88, s3;
	s6 =	simm.s32 @!p1 $0x1082;
	[sflag:s4] =	ssyncset.s32 $0xFFFFF086  }
0x25: {  	[simem:s6], [sflag:s4] =	dma.local [hbm:s3], $0xF7A  }
0x26: {  	[smem:$0x3F9E] =	sst s1;
	(tag) =	ssettag s2;
	_ =	strace s9  }
0x27: {  	s1 =	sld [smem:$0x3FAE]  }
0x28: {  	s2 =	sld [smem:$0x3FAF]  }
0x29: {  	s4 =	sld [smem:$0x3FB1]  }
0x2a: {  	p0 =	seq.s32 s5, $0x0;
	s5 =	sld [smem:$0x3FB2]  }
0x2b: {  	s6 =	sld [smem:$0x3FB3]  }
0x2c: {  	s7 =	sld [smem:$0x3FB4]  }
0x2d: {  	s3 =	simm.s32 $0x108;
	s8 =	sld [smem:$0x3FB5]  }
0x2e: {  	s3 =	simm.s32 @!p0 $0x1082;
	s9 =	sld [smem:$0x3FB6]  }
0x2f: {  	lr =	sadd.s32 s0, s3;
	s0 =	sld [smem:$0x3FAD]  }
0x30: {  	s3 =	sld [smem:$0x3FB0]  }
0x31: {  	[smem:$0x3FB9] =	sst s10  }
0x32: {  	s10 =	sld [smem:$0x3FB7];
	_ =	sdelay $0x3  }
0x33: {  	p0 =	seq.s32 s10, $0x1;
	s10 =	sld [smem:$0x3FB9];
	_ =	sdelay $0x3  }
0x34: {  	[smem:$0x3FB9] =	sst s10  }
0x35: {  	s10 =	sld [smem:$0x3FB8];
	_ =	sdelay $0x3  }
0x36: {  	p1 =	seq.s32 s10, $0x1;
	s10 =	sld [smem:$0x3FB9];
	_ =	sdelay $0x3  }
0x37: {  	[smem:$0x3FB9] =	sst s10  }
0x38: {  	s10 =	sld [smem:$0x3FBA]  }
0x39: {  	_ = 	snop;
	(pc) =	sbr.ind lr, $3  }
0x3a: {  	_ = 	snop  }
0x3b: {  	_ = 	snop  }
0x3c: {  	p2 =	seq.s32 s10, $0x1;
	s10 =	sld [smem:$0x3FB9]  }
0x3d: {  	_ =	shalt  }
0x3e: {  	_ =	shalt  }
0x3f: {  	_ =	shalt  }
0x40: {  	_ =	shalt  }
0x41: {  	_ =	shalt  }
0x42: {  	_ =	shalt  }
0x43: {  	_ =	shalt  }
0x44: {  	_ =	shalt  }
0x45: {  	_ =	shalt  }
0x46: {  	_ =	shalt  }
0x47: {  	_ =	shalt  }
0x48: {  	_ =	shalt  }
0x49: {  	_ =	shalt  }
0x4a: {  	_ =	shalt  }
0x4b: {  	_ =	shalt  }
0x4c: {  	_ =	shalt  }
0x4d: {  	_ =	shalt  }
0x4e: {  	_ =	shalt  }
0x4f: {  	_ =	shalt  }
0x50: {  	_ =	shalt  }
0x51: {  	_ =	shalt  }
0x52: {  	_ =	shalt  }
0x53: {  	_ =	shalt  }
0x54: {  	_ =	shalt  }
0x55: {  	_ =	shalt  }
0x56: {  	_ =	shalt  }
0x57: {  	_ =	shalt  }
0x58: {  	_ =	shalt  }
0x59: {  	_ =	shalt  }
0x5a: {  	_ =	shalt  }
0x5b: {  	_ =	shalt  }
0x5c: {  	_ =	shalt  }
0x5d: {  	_ =	shalt  }
0x5e: {  	_ =	shalt  }
0x5f: {  	_ =	shalt  }
0x60: {  	_ =	shalt  }
0x61: {  	_ =	shalt  }
0x62: {  	_ =	shalt  }
0x63: {  	_ =	shalt  }
0x64: {  	_ =	shalt  }
0x65: {  	_ =	shalt  }
0x66: {  	_ =	shalt  }
0x67: {  	_ =	shalt  }
0x68: {  	_ =	shalt  }
0x69: {  	_ =	shalt  }
0x6a: {  	_ =	shalt  }
0x6b: {  	_ =	shalt  }
0x6c: {  	_ =	shalt  }
0x6d: {  	_ =	shalt  }
0x6e: {  	_ =	shalt  }
0x6f: {  	_ =	shalt  }
0x70: {  	_ =	shalt  }
0x71: {  	_ =	shalt  }
0x72: {  	_ =	shalt  }
0x73: {  	_ =	shalt  }
0x74: {  	_ =	shalt  }
0x75: {  	_ =	shalt  }
0x76: {  	_ =	shalt  }
0x77: {  	_ =	shalt  }
0x78: {  	_ =	shalt  }
0x79: {  	_ =	shalt  }
0x7a: {  	_ =	shalt  }
0x7b: {  	_ =	shalt  }
0x7c: {  	_ =	shalt  }
0x7d: {  	_ =	shalt  }
0x7e: {  	_ =	shalt  }
0x7f: {  	_ =	shalt  }
0x80: {  	_ =	shalt  }
0x81: {  	_ =	shalt  }
0x82: {  	_ =	shalt  }
0x83: {  	_ =	shalt  }
0x84: {  	_ =	shalt  }
0x85: {  	_ =	shalt  }
0x86: {  	_ =	shalt  }
0x87: {  	_ =	shalt  }
.Lfunc_end0:
.L_simem_size_0:
called_computation_lowered:
.L_overlay_start_0:
0x88: {  	s2 =	sld [smem:$0x3FD9]  }
0x89: {  	s3 =	sld [smem:$0x3FFE];
	_ =	sdelay $0x1  }
0x8a: {  	s1 =	srdreg.scid  }
0x8b: {  	s0 =	sand.u32 $0x1, s1  }
0x8c: {  	s17 =	sshll.u32 s0, $0xA;
	s2 =	sadd.s32 s3, s2  }
0x8d: {  	s2 =	sadd.s32 s2, s17  }
0x8e: {  	[smem:$0x3FC5] =	sst s2  }
0x8f: {  	_ = 	snop  }
0x90: {  	s2 =	sld [smem:$0x3FC9]  }
0x91: {  	s18 =	sld [smem:$0x3FC8]  }
0x92: {  	s4 =	sld [smem:$0x3FD0];
	(tm) =	ssettm $0x1  }
0x93: {  	s5 =	sld [smem:$0x3FFB];
	_ =	sdelay $0x3  }
0x94: {  	_ =	strace s5  }
0x95: {  	s5 =	sld [smem:$0x3FFC];
	_ =	sdelay $0x3  }
0x96: {  	_ =	strace s5  }
0x97: {  	s5 =	sld [smem:$0x3FFD];
	_ =	sdelay $0x3  }
0x98: {  	_ =	strace s5  }
0x99: {  	_ =	strace $0x8FFFFFFF  }
0x9a: {  	s19 =	sld [smem:$0x3FDB];
	_ =	sdelay $0x1  }
0x9b: {  	s6 =	simm.s32 $_scs_section_size  }
0x9c: {  	s7 =	simm.s32 $_size__tile_overlayer_lowered;
	s8 =	simm.s32 $_tile_overlayer_lowered  }
0x9d: {  	s22 =	simm.s32 $0x1BFF;
	s21 =	sshll.u32 s8, $0x1;
	s5 =	sadd.s32 s6, s19  }
0x9e: {  	s9 =	simm.s32 $0x0;
	s20 =	sshll.u32 s7, $0x1;
	s7 =	sadd.s32 s21, s5  }
0x9f: {  	[timem:s9], [sflag:s22] =	dma.local [hbm:s7], s20  }
0xa0: {  	_ =	swait.ge [sflag:s22], s20  }
0xa1: {  	s6 =	ssub.s32 $0x0, s20;
	[sflag:s22] =	ssyncset.done $0x0  }
0xa2: {  	[sflag:s22] =	ssyncadd.s32 s6;
	_ =	sdelay $0x1  }
0xa3: {  	s23 =	simm.s32 $0x1B8B  }
0xa4: {  	_ =	swait.ge [sflag:s23], $0x1  }
0xa5: {  	[sflag:s23] =	ssyncset.done $0x0  }
0xa6: {  	s25 =	simm.s32 $0x1B8E;
	s24 =	sld [smem:$0x3FFE];
	[sflag:s23] =	ssyncadd.s32 $0xFFFFFFFF  }
0xa7: {  	s26 =	simm.s32 $execute0_lowered;
	[smem:$0x3FD2] =	sst s25  }
0xa8: {  	s7 =	sshll.u32 s26, $0x1;
	_ =	strace $0x80000046;
	[dreg:$0x1] =	wrdreg $0xFFFFFFFF  }
0xa9: {  	s28 =	simm.s32 $_size_execute0_lowered;
	s5 =	sadd.s32 s5, s7;
	[dreg:$0x0] =	wrdreg $0x0  }
0xaa: {  	s7 =	sshll.u32 s28, $0x1;
	[dreg:$0x2] =	wrdreg s5  }
0xab: {  	[dreg:$0x3] =	wrdreg s7  }
0xac: {  	[dreg:$0x4] =	wrdreg $0xC0  }
0xad: {  	_ =	task [dreg:s9], $0x5FFFF  }
0xae: {  	[dreg:$0x1] =	wrdreg $0xFFFFFFFF  }
0xaf: {  	[dreg:$0x0] =	wrdreg $0x60  }
0xb0: {  	[dreg:$0x2] =	wrdreg s2  }
0xb1: {  	[dreg:$0x3] =	wrdreg s18  }
0xb2: {  	[dreg:$0x4] =	wrdreg s24  }
0xb3: {  	[dreg:$0x5] =	wrdreg s4  }
0xb4: {  	[dreg:$0x6] =	wrdreg $0x9  }
0xb5: {  	_ =	task.clear_ibuf [dreg:s9], $0x7FFFF;
	_ =	strace $0x90000046  }
0xb6: {  	s29 =	simm.s32 $0x9;
	_ =	strace $0x80000048  }
0xb7: {  	_ =	swait.ge [sflag:s29], $0x1  }
0xb8: {  	[sflag:s29] =	ssyncadd.s32 $0xFFFFFFFF  }
0xb9: {  	_ =	strace $0x90000048  }
0xba: {  	_ =	sfence  }
0xbb: {  	s30 =	sld [smem:$0x0];
	_ =	sdelay $0x2  }
0xbc: {  	s31 =	sshll.u32 s1, $0xD;
	s1 =	sshrl.u32 s1, $0x2  }
0xbd: {  	s3 =	sand.u32 $0x4000, s31;
	s1 =	sadd.s32 s1, s30  }
0xbe: {  	s0 =	sor.u32 s3, s0;
	s1 =	sshll.u32 s1, $0x11  }
0xbf: {  	s0 =	sor.u32 s1, s0  }
0xc0: {  	s0 =	sadd.s32 $0x8F2B, s0  }
0xc1: {  	[sflag:s0] =	ssyncadd.remote.s32 $0x1  }
0xc2: {  	_ =	sfence.sel $0xFFFF  }
0xc3: {  	[dreg:$0x0] =	wrdreg $0xFFFFFFFF;
	(pc) =	sbr.abs _section_cstart, $3  }
0xc4: {  	[dreg:$0x1] =	wrdreg $0xFFFFFFFF  }
0xc5: {  	_ =	task.clear_ibuf [dreg:s9], $0x2FFFF;
	_ =	strace $0x9FFFFFFF  }
0xc6: {  	(tm) =	ssettm $0x7FFFFFFF  }
0xc7: {  	_ =	shalt  }
tec
execute0_lowered:
.L_overlay_start_1:
0x0: {  	(tag) =	ssettag $0x1  }
0x1: {  	s0 =	rddreg [dreg:$0x0];
	vm0 =	vmmov $0x1;
	vm1 =	vcmask $0x308  }
0x2: {  	s2 =	rddreg [dreg:$0x1];
	vm2 =	vcmask $0x70C;
	vm3 =	vcmask $0xB10;
	vm4 =	vcmask $0xF14  }
0x3: {  	s3 =	rddreg [dreg:$0x2];
	vm5 =	vcmask $0x1318;
	vm6 =	vcmask $0x171C;
	vm7 =	vcmask $0x1B20;
	s5 =	srdreg.scid  }
0x4: {  	s1 =	simm.s32 $0x0;
	vm8 =	vcmask $0x1F24;
	vm9 =	vcmask $0x2328;
	v0 =	vlaneseq.u32;
	s7 =	stileid.u32;
	s5 =	sand.u32 $0x1, s5  }
0x5: {  	vm10 =	vcmask $0x272C;
	vm11 =	vcmask $0x2B30;
	vm12 =	vcmask $0x2F34;
	s7 =	sshll.u32 s7, $0x7;
	s6 =	ssub.s32 $0x2, s5;
	s5 =	sshll.u32 s5, $0x6  }
0x6: {  	vm13 =	vcmask $0x3338;
	[smem:$0x7FF] =	sst s1;
	v1 =	vand.u32 $0x7, v0;
	v0 =	vmul.u32 $0x10, v0;
	s5 =	sor.u32 s5, s7  }
0x7: {  	s4 =	rddreg [dreg:$0x3];
	vm14 =	vcmask $0x373C;
	vm15 =	vmmov $0x7fff;
	_ =	strace $0x80000047;
	v1 =	vmul.u32 $0x10, v1;
	s0 =	sadd.s32 s0, s5  }
0x8: {  	s8 =	sshrl.u32 s6, $0x1;
	v2 =	vor.u32 $0x1, v0;
	v3 =	vor.u32 $0x2, v0;
	v4 =	vor.u32 $0x3, v0;
	s29 =	sadd.s32 s2, s5;
	[dreg:$0x12] =	wrdreg s0  }
0x9: {  	v5 =	vor.u32 $0x4, v0;
	v6 =	vor.u32 $0x5, v0;
	v7 =	vor.u32 $0x6, v0;
	s6 =	ssub.s32 s6, s8;
	s30 =	sadd.s32 s4, s5;
	[dreg:$0x13] =	wrdreg s29  }
0xa: {  	s3 =	sadd.s32 $0x400, s3;
	v8 =	vor.u32 $0x7, v0;
	v9 =	vor.u32 $0x8, v0;
	v10 =	vor.u32 $0x9, v0;
	[dreg:$0x14] =	wrdreg s30;
	s31 =	smax.u32 s6, $0x1  }
0xb: {  	v11 =	vor.u32 $0xA, v0;
	v12 =	vor.u32 $0xB, v0;
	v1 =	vor.u32 $0xFFFFFF80, v1;
	s2 =	simm.s32 $0x3;
	s4 =	simm.s32 $0x0;
	[dreg:$0x15] =	wrdreg s31  }
.LBB2_1:
0xc: {  	[dreg:$0x16] =	wrdreg s4  }
0xd: {  	s0 =	rddreg [dreg:$0x12]  }
0xe: {  	[tilespmem:s1], [sflag:$0x3] =	stream.linear.gather [hbm4b:s0+s1], $0x200, $0x38;
	[tilespmem:$0x12600] =	vst v63  }
0xf: {  	_ =	swait.ge [sflag:s2], $0x200  }
0x10: {  	[sflag:s2] =	ssyncset.done $0x0  }
0x11: {  	s31 =	simm.s32 $0x200;
	s30 =	rddreg [dreg:$0x13];
	[sflag:s2] =	ssyncadd.s32 $0xFFFFFE00  }
0x12: {  	[tilespmem:s31], [sflag:$0x3] =	stream.linear.gather [hbm4b:s30+s1], $0x200, $0x38;
	[tilespmem:$0x12600] =	vst v63  }
0x13: {  	_ =	swait.ge [sflag:s2], $0x200  }
0x14: {  	[sflag:s2] =	ssyncset.done $0x0  }
0x15: {  	p1 =	por $0x1, $0x1;
	s4 =	simm.s32 $0x0;
	[sflag:s2] =	ssyncadd.s32 $0xFFFFFE00  }
.LBB2_2:
0x16: {  	s0 =	sshll.u32 s4, $0x2  }
0x17: {  	[dreg:$0x17] =	wrdreg s4;
	s4 =	sshra.s32 s0, $0x2  }
0x18: {  	s2 =	sadd.s32 $0x200, s4  }
0x19: {  	v13 =	vld [tilespmem:s2+$0x0]  }
0x1a: {  	v14 =	vld [tilespmem:s4+$0x0];
	_ =	sdelay $0x3  }
0x1b: {  	v15 =	vnsel vm0, $0x0, v13  }
0x1c: {  	v16 =	vnsel vm0, $0x0, v14;
	(xrf0) =	vadd.scan.msk.s32 $0xffff, v15  }
0x1d: {  	v15 =	vsel vm1, $0x0, v14;
	(xrf0) =	vadd.scan.msk.s32 $0xffff, v16  }
0x1e: {  	v16 =	vsel vm11, $0x0, v13;
	(xrf0) =	vadd.scan.msk.s32 $0xffff, v15  }
0x1f: {  	v15 =	vsel vm2, $0x0, v13;
	(xrf0) =	vadd.scan.msk.s32 $0xffff, v16  }
0x20: {  	v16 =	vsel vm3, $0x0, v13;
	(xrf0) =	vadd.scan.msk.s32 $0xffff, v15  }
0x21: {  	v15 =	vsel vm2, $0x0, v14;
	(xrf0) =	vadd.scan.msk.s32 $0xffff, v16;
	v16 =	vsel vm5, $0x0, v13  }
0x22: {  	v17, _, _ =	vpop (xrf0);
	(xrf0) =	vadd.scan.msk.s32 $0xffff, v15;
	v15 =	vsel vm1, $0x0, v13  }
0x23: {  	v18, _, _ =	vpop (xrf0);
	(v2sf) =	vpush v17, $0xF  }
0x24: {  	(xrf0) =	vadd.scan.msk.s32 $0xffff, v16;
	(v2sf) =	vpush v18, $0xF;
	v16, _, _ =	vpop (xrf0)  }
0x25: {  	(xrf0) =	vadd.scan.msk.s32 $0xffff, v15;
	(v2sf) =	vpush v16, $0xF;
	v15, _, _ =	vpop (xrf0)  }
0x26: {  	v16, _, _ =	vpop (xrf0);
	(v2sf) =	vpush v15, $0xF;
	v15 =	vsel vm12, $0x0, v13  }
0x27: {  	v17 =	vsel vm6, $0x0, v13;
	(v2sf) =	vpush v16, $0xF;
	v16, _, _ =	vpop (xrf0)  }
0x28: {  	(v2sf) =	vpush v16, $0xF;
	v16 =	vsel vm13, $0x0, v13  }
0x29: {  	(xrf0) =	vadd.scan.msk.s32 $0xffff, v15;
	v15, _, _ =	vpop (xrf0)  }
0x2a: {  	(xrf0) =	vadd.scan.msk.s32 $0xffff, v17;
	v17, _, _ =	vpop (xrf0);
	(v2sf) =	vpush v15, $0xF  }
0x2b: {  	(xrf0) =	vadd.scan.msk.s32 $0xffff, v16;
	v16, _, _ =	vpop (xrf0)  }
0x2c: {  	v18 =	vsel vm3, $0x0, v14;
	(v2sf) =	vpush v16, $0xF  }
0x2d: {  	v15 =	vsel vm4, $0x0, v14;
	(xrf0) =	vadd.scan.msk.s32 $0xffff, v18  }
0x2e: {  	s17 =	simm.s32 $0x2000;
	s16 =	simm.s32 $0x0;
	(xrf0) =	vadd.scan.msk.s32 $0xffff, v15;
	v15 =	vsel vm8, $0x0, v13;
	v16 =	vsel vm7, $0x0, v13  }
0x2f: {  	s12 =	simm.s32 $0x8500;
	s10 =	simm.s32 $0x700;
	s24 =	simm.s32 $0x900;
	(xrf0) =	vadd.scan.msk.s32 $0xffff, v16;
	v16 =	vsel vm5, $0x0, v14  }
0x30: {  	s8 =	simm.s32 $0x580;
	s7 =	simm.s32 $0x8580;
	s23 =	simm.s32 $0x400  }
0x31: {  	s6 =	simm.s32 $0x480;
	s9 =	simm.s32 $0x600;
	s13 =	simm.s32 $0x8400;
	(v2sf) =	vpush v17, $0xF;
	v17 =	vsel vm9, $0x0, v13;
	(xrf0) =	vadd.scan.msk.s32 $0xffff, v15;
	v15, _, _ =	vpop (xrf0)  }
0x32: {  	s14 =	simm.s32 $0x500;
	s25 =	simm.s32 $0x8880;
	(xrf0) =	vadd.scan.msk.s32 $0xffff, v16;
	v16, _, _ =	vpop (xrf0);
	s15 =	spop (v2sf)  }
0x33: {  	s5 =	simm.s32 $0x680;
	s18 =	simm.s32 $0x8480;
	v18 =	vsel vm6, $0x0, v14;
	(xrf0) =	vadd.scan.msk.s32 $0xffff, v17;
	(v2sf) =	vpush v16, $0xF;
	v16, _, _ =	vpop (xrf0);
	s11 =	spop (v2sf)  }
0x34: {  	s26 =	simm.s32 $0x880;
	v19 =	vsel vm7, $0x0, v14;
	(xrf0) =	vadd.scan.msk.s32 $0xffff, v18;
	v18 =	vsel vm4, $0x0, v13;
	v17, _, _ =	vpop (xrf0);
	s19 =	spop (v2sf);
	s20 =	sshll.u32 s11, $0x4  }
0x35: {  	s28 =	simm.s32 $0x800;
	(xrf0) =	vadd.scan.msk.s32 $0xffff, v19;
	(v2sf) =	vpush v17, $0xF;
	v17, _, _ =	vpop (xrf0);
	s11 =	spop (v2sf);
	s20 =	sand.u32 $0x1FFFFFF0, s20  }
0x36: {  	(xrf0) =	vadd.scan.msk.s32 $0xffff, v18;
	s15 =	sshll.u32 s15, $0x4;
	(v2sf) =	vpush v17, $0xF;
	v17, _, _ =	vpop (xrf0);
	s21 =	spop (v2sf);
	s20 =	sadd.s32 s3, s20  }
0x37: {  	v18, _, _ =	vpop (xrf0);
	[tilespmem:s23], [sflag:$0x1] =	stream.linear.gather [hbm4b:s20+s1], $0x80, $0x38;
	[tilespmem:$0x12600] =	vst v63  }
0x38: {  	s0 =	sand.u32 $0x1FFFFFF0, s15;
	(v2sf) =	vpush v17, $0xF;
	v19, _, _ =	vpop (xrf0);
	s22 =	spop (v2sf);
	s20 =	sshll.u32 s19, $0x4  }
0x39: {  	s0 =	sadd.s32 s3, s0;
	(v2sf) =	vpush v19, $0xF;
	s15 =	sand.u32 $0x1FFFFFF0, s20;
	s19 =	spop (v2sf)  }
0x3a: {  	v17, _, _ =	vpop (xrf0);
	[tilespmem:s13], [sflag:$0x2] =	stream.linear.gather [hbm4b:s0+s1], $0x80, $0x38;
	[tilespmem:$0x12600] =	vst v63  }
0x3b: {  	s29 =	simm.s32 $0x780;
	v19, _, _ =	vpop (xrf0);
	(v2sf) =	vpush v18, $0xF;
	s15 =	sadd.s32 s3, s15;
	s23 =	spop (v2sf)  }
0x3c: {  	v18, _, _ =	vpop (xrf0);
	[tilespmem:s6], [sflag:$0x1] =	stream.linear.gather [hbm4b:s15+s1], $0x80, $0x38;
	[tilespmem:$0x12600] =	vst v63  }
0x3d: {  	s31 =	simm.s32 $0xA00;
	s30 =	simm.s32 $0x8A00;
	(v2sf) =	vpush v17, $0xF;
	v17, _, _ =	vpop (xrf0);
	s23 =	sshll.u32 s23, $0x4  }
0x3e: {  	p0 =	por p1, p1;
	s21 =	sshll.u32 s21, $0x4;
	(v2sf) =	vpush v17, $0xF;
	s20 =	sand.u32 $0x1FFFFFF0, s23  }
0x3f: {  	s21 =	sand.u32 $0x1FFFFFF0, s21;
	s23 =	sshll.u32 s19, $0x4;
	s20 =	sadd.s32 s3, s20  }
0x40: {  	[tilespmem:s18], [sflag:$0x2] =	stream.linear.gather [hbm4b:s20+s1], $0x80, $0x38;
	[tilespmem:$0x12600] =	vst v63  }
0x41: {  	s0 =	simm.s32 $0x8700;
	s6 =	spop (v2sf);
	s20 =	sand.u32 $0x1FFFFFF0, s23  }
0x42: {  	s19 =	sadd.s32 $0x10, s4;
	s13 =	spop (v2sf);
	s4 =	sadd.s32 s3, s20  }
0x43: {  	[tilespmem:s14], [sflag:$0x1] =	stream.linear.gather [hbm4b:s4+s1], $0x80, $0x38;
	[tilespmem:$0x12600] =	vst v63  }
0x44: {  	v17 =	vsel vm8, $0x0, v14;
	s6 =	sshll.u32 s6, $0x4;
	s20 =	sadd.s32 $0x10, s2;
	s18 =	spop (v2sf)  }
0x45: {  	(xrf0) =	vadd.scan.msk.s32 $0xffff, v17;
	s2 =	sadd.s32 s3, s21;
	s23 =	spop (v2sf);
	s14 =	sshll.u32 s18, $0x4  }
0x46: {  	v20 =	vsel vm9, $0x0, v14;
	[tilespmem:s12], [sflag:$0x2] =	stream.linear.gather [hbm4b:s2+s1], $0x80, $0x38;
	[tilespmem:$0x12600] =	vst v63  }
0x47: {  	(xrf0) =	vadd.scan.msk.s32 $0xffff, v20;
	s21 =	sshll.u32 s22, $0x4;
	s4 =	spop (v2sf);
	s22 =	sand.u32 $0x1FFFFFF0, s14  }
0x48: {  	s2 =	sand.u32 $0x1FFFFFF0, s21;
	s12 =	sadd.s32 s3, s22;
	s18 =	spop (v2sf)  }
0x49: {  	[tilespmem:s8], [sflag:$0x1] =	stream.linear.gather [hbm4b:s12+s1], $0x80, $0x38;
	[tilespmem:$0x12600] =	vst v63  }
0x4a: {  	s2 =	sadd.s32 s3, s2;
	(v2sf) =	vpush v19, $0xF;
	s12 =	sshll.u32 s23, $0x4;
	s14 =	spop (v2sf)  }
0x4b: {  	v17, _, _ =	vpop (xrf0);
	(v2sf) =	vpush v18, $0xF;
	v18 =	vsel vm10, $0x0, v14;
	[tilespmem:s7], [sflag:$0x2] =	stream.linear.gather [hbm4b:s2+s1], $0x80, $0x38;
	[tilespmem:$0x12600] =	vst v63  }
0x4c: {  	s6 =	sand.u32 $0x1FFFFFF0, s6;
	s21 =	spop (v2sf);
	(v2sf) =	vpush v17, $0xF;
	v17 =	vsel vm10, $0x0, v13;
	(xrf0) =	vadd.scan.msk.s32 $0xffff, v18;
	s7 =	sand.u32 $0x1FFFFFF0, s12  }
0x4d: {  	v19, _, _ =	vpop (xrf0);
	s23 =	simm.s32 $0xA80;
	(xrf0) =	vadd.scan.msk.s32 $0xffff, v17;
	s2 =	sadd.s32 s3, s7;
	s22 =	spop (v2sf)  }
0x4e: {  	v17 =	vsel vm11, $0x0, v14;
	(v2sf) =	vpush v19, $0xF;
	[tilespmem:s9], [sflag:$0x1] =	stream.linear.gather [hbm4b:s2+s1], $0x80, $0x38;
	[tilespmem:$0x12600] =	vst v63  }
0x4f: {  	s15 =	simm.s32 $0x8600;
	s6 =	sadd.s32 s3, s6;
	[dreg:$0x7] =	wrdreg s23;
	(xrf0) =	vadd.scan.msk.s32 $0xffff, v17;
	v17 =	vsel vm12, $0x0, v14  }
0x50: {  	s23 =	simm.s32 $0x8A80;
	s18 =	sshll.u32 s18, $0x4;
	v18 =	vsel vm13, $0x0, v14;
	s22 =	sshll.u32 s22, $0x4;
	(xrf0) =	vadd.scan.msk.s32 $0xffff, v17  }
0x51: {  	[dreg:$0x6] =	wrdreg s23;
	s12 =	sshll.u32 s11, $0x4;
	v17 =	vsel vm14, $0x0, v14;
	s7 =	sand.u32 $0x1FFFFFF0, s22;
	(xrf0) =	vadd.scan.msk.s32 $0xffff, v18  }
0x52: {  	s23 =	simm.s32 $0x8680;
	s9 =	simm.s32 $0xB00;
	s7 =	sadd.s32 s3, s7;
	(xrf0) =	vadd.scan.msk.s32 $0xffff, v17  }
0x53: {  	v18 =	vsel vm14, $0x0, v13;
	[tilespmem:s15], [sflag:$0x2] =	stream.linear.gather [hbm4b:s7+s1], $0x80, $0x38;
	[tilespmem:$0x12600] =	vst v63  }
0x54: {  	s8 =	sand.u32 $0x1FFFFFF0, s12;
	[dreg:$0x5] =	wrdreg s9;
	s9 =	sand.u32 $0x1FFFFFF0, s18;
	v14 =	vsel vm15, $0x0, v14;
	(xrf0) =	vadd.scan.msk.s32 $0xffff, v18  }
0x55: {  	s12 =	sshll.u32 s4, $0x4;
	s2 =	simm.s32 $0x8980;
	s22 =	sadd.s32 s3, s9;
	v17, _, _ =	vpop (xrf0);
	(xrf0) =	vadd.scan.msk.s32 $0xffff, v14  }
0x56: {  	v13 =	vsel vm15, $0x0, v13;
	[tilespmem:s5], [sflag:$0x1] =	stream.linear.gather [hbm4b:s22+s1], $0x80, $0x38;
	[tilespmem:$0x12600] =	vst v63  }
0x57: {  	s15 =	sshll.u32 s13, $0x4;
	s7 =	sshll.u32 s14, $0x4;
	s14 =	sshll.u32 s21, $0x4;
	v18, _, _ =	vpop (xrf0);
	(xrf0) =	vadd.scan.msk.s32 $0xffff, v13  }
0x58: {  	v14, _, _ =	vpop (xrf0);
	[tilespmem:s23], [sflag:$0x2] =	stream.linear.gather [hbm4b:s6+s1], $0x80, $0x38;
	[tilespmem:$0x12600] =	vst v63  }
0x59: {  	s13 =	sand.u32 $0x1FFFFFF0, s15;
	s11 =	sand.u32 $0x1FFFFFF0, s7;
	(v2sf) =	vpush v17, $0xF;
	v20, _, _ =	vpop (xrf0);
	s9 =	spop (v2sf)  }
0x5a: {  	(v2sf) =	vpush v18, $0xF;
	v19, _, _ =	vpop (xrf0);
	s7 =	sshll.u32 s9, $0x4;
	s18 =	spop (v2sf);
	s9 =	simm.s32 $0x980  }
0x5b: {  	v17, _, _ =	vpop (xrf0);
	(v2sf) =	vpush v15, $0xF;
	s15 =	sand.u32 $0x1FFFFFF0, s7;
	s7 =	sand.u32 $0x1FFFFFF0, s14;
	s21 =	spop (v2sf)  }
0x5c: {  	v15, _, _ =	vpop (xrf0);
	s22 =	sshll.u32 s18, $0x4;
	(v2sf) =	vpush v14, $0xF;
	s6 =	sadd.s32 s3, s15;
	s4 =	sshll.u32 s21, $0x4  }
0x5d: {  	v14, _, _ =	vpop (xrf0);
	s14 =	sand.u32 $0x1FFFFFF0, s22;
	(v2sf) =	vpush v16, $0xF;
	s15 =	simm.s32 $0x8800;
	s23 =	spop (v2sf)  }
0x5e: {  	v13, _, _ =	vpop (xrf0);
	s18 =	sand.u32 $0x1FFFFFF0, s4;
	(v2sf) =	vpush v20, $0xF;
	s4 =	simm.s32 $0x8900;
	s5 =	sshll.u32 s23, $0x4  }
.LBB2_3:
0x5f: {  	_ =	sdelay $0x3  }
0x60: {  	[tilespmem:s10], [sflag:$0x1] =	stream.linear.gather [hbm4b:s6+s1], $0x80, $0x38;
	[tilespmem:$0x12600] =	vst v63  }
0x61: {  	s10 =	sadd.s32 s3, s13  }
0x62: {  	[tilespmem:s0], [sflag:$0x2] =	stream.linear.gather [hbm4b:s10+s1], $0x80, $0x38;
	[tilespmem:$0x12600] =	vst v63  }
0x63: {  	s6 =	sadd.s32 s3, s14  }
0x64: {  	[tilespmem:s29], [sflag:$0x1] =	stream.linear.gather [hbm4b:s6+s1], $0x80, $0x38;
	[tilespmem:$0x12600] =	vst v63  }
0x65: {  	s21 =	sadd.s32 $0x8780, s16;
	s22 =	sand.u32 $0x1FFFFFF0, s5;
	s23 =	spop (v2sf)  }
0x66: {  	s22 =	sadd.s32 s3, s22;
	s10 =	sand.u32 $0x1FFFFFF0, s12;
	s13 =	sshll.u32 s23, $0x4  }
0x67: {  	s23 =	spop (v2sf);
	(v2sf) =	vpush v19, $0xF;
	s12 =	sand.u32 $0x1FFFFFF0, s13;
	s13 =	sadd.s32 s3, s10  }
0x68: {  	s6 =	sshll.u32 s23, $0x4;
	s14 =	spop (v2sf);
	s23 =	sadd.s32 s3, s18  }
0x69: {  	[tilespmem:s21], [sflag:$0x2] =	stream.linear.gather [hbm4b:s13+s1], $0x80, $0x38;
	[tilespmem:$0x12600] =	vst v63  }
0x6a: {  	s18 =	sadd.s32 s3, s11;
	s13 =	sshll.u32 s14, $0x4;
	s10 =	spop (v2sf)  }
0x6b: {  	(v2sf) =	vpush v17, $0xF;
	[tilespmem:s28], [sflag:$0x1] =	stream.linear.gather [hbm4b:s23+s1], $0x80, $0x38;
	[tilespmem:$0x12600] =	vst v63  }
0x6c: {  	s6 =	sand.u32 $0x1FFFFFF0, s6;
	s21 =	sshll.u32 s10, $0x4;
	s23 =	spop (v2sf)  }
0x6d: {  	(v2sf) =	vpush v15, $0xF;
	[tilespmem:s15], [sflag:$0x2] =	stream.linear.gather [hbm4b:s18+s1], $0x80, $0x38;
	[tilespmem:$0x12600] =	vst v63  }
0x6e: {  	s13 =	sand.u32 $0x1FFFFFF0, s13;
	s10 =	sadd.s32 s3, s7;
	s18 =	spop (v2sf)  }
0x6f: {  	[tilespmem:s26], [sflag:$0x1] =	stream.linear.gather [hbm4b:s22+s1], $0x80, $0x38;
	[tilespmem:$0x12600] =	vst v63  }
0x70: {  	s11 =	sand.u32 $0x1FFFFFF0, s21;
	s15 =	sshll.u32 s23, $0x4;
	s23 =	sshll.u32 s18, $0x4  }
0x71: {  	(v2sf) =	vpush v14, $0xF;
	[tilespmem:s25], [sflag:$0x2] =	stream.linear.gather [hbm4b:s10+s1], $0x80, $0x38;
	[tilespmem:$0x12600] =	vst v63  }
0x72: {  	s21 =	sadd.s32 s3, s12;
	s7 =	sand.u32 $0x1FFFFFF0, s15;
	s26 =	sand.u32 $0x1FFFFFF0, s23  }
0x73: {  	(v2sf) =	vpush v13, $0xF;
	[tilespmem:s24], [sflag:$0x1] =	stream.linear.gather [hbm4b:s21+s1], $0x80, $0x38;
	[tilespmem:$0x12600] =	vst v63  }
0x74: {  	s22 =	sadd.s32 s3, s6;
	s14 =	sadd.s32 s3, s26;
	s25 =	sadd.s32 s3, s11  }
0x75: {  	[tilespmem:s4], [sflag:$0x2] =	stream.linear.gather [hbm4b:s22+s1], $0x80, $0x38;
	[tilespmem:$0x12600] =	vst v63  }
0x76: {  	s21 =	sadd.s32 s3, s13;
	s13 =	rddreg [dreg:$0x5];
	s24 =	spop (v2sf)  }
0x77: {  	[tilespmem:s9], [sflag:$0x1] =	stream.linear.gather [hbm4b:s25+s1], $0x80, $0x38;
	[tilespmem:$0x12600] =	vst v63  }
0x78: {  	s11 =	sadd.s32 s3, s8;
	s10 =	sshll.u32 s24, $0x4;
	s24 =	rddreg [dreg:$0x7]  }
0x79: {  	[tilespmem:s2], [sflag:$0x2] =	stream.linear.gather [hbm4b:s11+s1], $0x80, $0x38;
	[tilespmem:$0x12600] =	vst v63  }
0x7a: {  	s12 =	spop (v2sf);
	s25 =	sadd.s32 s3, s7;
	s9 =	rddreg [dreg:$0x6]  }
0x7b: {  	[tilespmem:s31], [sflag:$0x1] =	stream.linear.gather [hbm4b:s14+s1], $0x80, $0x38;
	[tilespmem:$0x12600] =	vst v63  }
0x7c: {  	s6 =	sand.u32 $0x1FFFFFF0, s10;
	s15 =	sshll.u32 s12, $0x4;
	s18 =	spop (v2sf)  }
0x7d: {  	[tilespmem:s30], [sflag:$0x2] =	stream.linear.gather [hbm4b:s21+s1], $0x80, $0x38;
	[tilespmem:$0x12600] =	vst v63  }
0x7e: {  	s2 =	sand.u32 $0x1FFFFFF0, s15;
	s4 =	sshll.u32 s18, $0x4;
	s22 =	sadd.s32 s3, s6  }
0x7f: {  	[tilespmem:s24], [sflag:$0x1] =	stream.linear.gather [hbm4b:s22+s1], $0x80, $0x38;
	[tilespmem:$0x12600] =	vst v63  }
0x80: {  	s4 =	sand.u32 $0x1FFFFFF0, s4;
	s23 =	spop (v2sf);
	s10 =	sadd.s32 s3, s2  }
0x81: {  	[tilespmem:s9], [sflag:$0x2] =	stream.linear.gather [hbm4b:s25+s1], $0x80, $0x38;
	[tilespmem:$0x12600] =	vst v63  }
0x82: {  	s6 =	sshll.u32 s23, $0x4;
	s14 =	sadd.s32 $0x8B00, s16;
	s26 =	spop (v2sf)  }
0x83: {  	[tilespmem:s13], [sflag:$0x1] =	stream.linear.gather [hbm4b:s10+s1], $0x80, $0x38;
	[tilespmem:$0x12600] =	vst v63  }
0x84: {  	s4 =	sadd.s32 s3, s4;
	s11 =	sand.u32 $0x1FFFFFF0, s6;
	s12 =	sshll.u32 s26, $0x4  }
0x85: {  	[tilespmem:s14], [sflag:$0x2] =	stream.linear.gather [hbm4b:s4+s1], $0x80, $0x38;
	[tilespmem:$0x12600] =	vst v63  }
0x86: {  	s15 =	sadd.s32 $0xB80, s16;
	s2 =	sadd.s32 s3, s11;
	s6 =	sand.u32 $0x1FFFFFF0, s12  }
0x87: {  	[tilespmem:s15], [sflag:$0x1] =	stream.linear.gather [hbm4b:s2+s1], $0x80, $0x38;
	[tilespmem:$0x12600] =	vst v63  }
0x88: {  	s18 =	sadd.s32 $0x8B80, s16;
	s21 =	sadd.s32 s3, s6  }
0x89: {  	[tilespmem:s18], [sflag:$0x2] =	stream.linear.gather [hbm4b:s21+s1], $0x80, $0x38;
	[tilespmem:$0x12600] =	vst v63  }
0x8a: {  	v16 =	vld [tilespmem:s20+$0x0]  }
0x8b: {  	v14 =	vld [tilespmem:s19+$0x0];
	_ =	sdelay $0x3  }
0x8c: {  	v15 =	vnsel vm0, $0x0, v16  }
0x8d: {  	v19 =	vnsel vm0, $0x0, v14;
	(xrf0) =	vadd.scan.msk.s32 $0xffff, v15  }
0x8e: {  	(xrf0) =	vadd.scan.msk.s32 $0xffff, v19  }
0x8f: {  	v20 =	vsel vm1, $0x0, v14  }
0x90: {  	v24 =	vsel vm11, $0x0, v16;
	(xrf0) =	vadd.scan.msk.s32 $0xffff, v20  }
0x91: {  	v18 =	vsel vm2, $0x0, v16;
	(xrf0) =	vadd.scan.msk.s32 $0xffff, v24  }
0x92: {  	v46 =	vsel vm3, $0x0, v16;
	(xrf0) =	vadd.scan.msk.s32 $0xffff, v18  }
0x93: {  	s5 =	smov.u32 s17;
	(xrf0) =	vadd.scan.msk.s32 $0xffff, v46;
	v32, _, _ =	vpop (xrf0)  }
0x94: {  	s16 =	sshra.s32 s5, $0x2;
	v15 =	vsel vm2, $0x0, v14;
	v34, _, _ =	vpop (xrf0);
	(v2sf) =	vpush v32, $0xF  }
0x95: {  	s23 =	sadd.s32 $0x700, s16;
	(xrf0) =	vadd.scan.msk.s32 $0xffff, v15;
	(v2sf) =	vpush v34, $0xF  }
0x96: {  	s5 =	sadd.s32 $0x680, s16;
	[dreg:$0x8] =	wrdreg s23;
	v18 =	vsel vm5, $0x0, v16;
	v48, _, _ =	vpop (xrf0)  }
0x97: {  	p1 =	sne.s32 s17, $0x1E000;
	s26 =	sadd.s32 $0x8580, s16;
	[dreg:$0xe] =	wrdreg s5;
	v33 =	vsel vm1, $0x0, v16;
	(xrf0) =	vadd.scan.msk.s32 $0xffff, v18;
	(v2sf) =	vpush v48, $0xF;
	v50, _, _ =	vpop (xrf0)  }
0x98: {  	s17 =	sadd.s32 $0x2000, s17;
	[dreg:$0xb] =	wrdreg s26;
	s22 =	sadd.s32 $0x8500, s16;
	v18 =	vsel vm12, $0x0, v16;
	(xrf0) =	vadd.scan.msk.s32 $0xffff, v33;
	v51, _, _ =	vpop (xrf0);
	(v2sf) =	vpush v50, $0xF  }
0x99: {  	s8 =	sadd.s32 $0x400, s16;
	s24 =	sadd.s32 $0x900, s16;
	[dreg:$0xd] =	wrdreg s22;
	v49 =	vsel vm6, $0x0, v16;
	(xrf0) =	vadd.scan.msk.s32 $0xffff, v18;
	(v2sf) =	vpush v51, $0xF;
	v52, _, _ =	vpop (xrf0)  }
0x9a: {  	s29 =	sadd.s32 $0x500, s16;
	s6 =	sadd.s32 $0x800, s16;
	[dreg:$0x9] =	wrdreg s24;
	v35 =	vsel vm13, $0x0, v16;
	v19 =	vsel vm4, $0x0, v14;
	(xrf0) =	vadd.scan.msk.s32 $0xffff, v49;
	(v2sf) =	vpush v52, $0xF  }
0x9b: {  	s7 =	sadd.s32 $0x880, s16;
	[dreg:$0x10] =	wrdreg s6;
	s25 =	sadd.s32 $0x580, s16;
	v21 =	vsel vm3, $0x0, v14;
	(xrf0) =	vadd.scan.msk.s32 $0xffff, v35;
	v18, _, _ =	vpop (xrf0)  }
0x9c: {  	s0 =	sadd.s32 $0x8700, s16;
	s9 =	sadd.s32 $0x8600, s16;
	[dreg:$0xc] =	wrdreg s25;
	(xrf0) =	vadd.scan.msk.s32 $0xffff, v21;
	(v2sf) =	vpush v18, $0xF  }
0x9d: {  	s31 =	sadd.s32 $0xA00, s16;
	[dreg:$0x11] =	wrdreg s9;
	s10 =	sadd.s32 $0xA80, s16;
	(xrf0) =	vadd.scan.msk.s32 $0xffff, v19;
	v19, _, _ =	vpop (xrf0)  }
0x9e: {  	s11 =	sadd.s32 $0x480, s16;
	s13 =	sadd.s32 $0x8A80, s16;
	[dreg:$0x7] =	wrdreg s10;
	v55, _, _ =	vpop (xrf0)  }
0x9f: {  	s5 =	sadd.s32 $0x780, s16;
	[dreg:$0x6] =	wrdreg s13;
	s4 =	sadd.s32 $0x8880, s16;
	v13 =	vsel vm14, $0x0, v16;
	(v2sf) =	vpush v55, $0xF  }
0xa0: {  	s30 =	sadd.s32 $0x8A00, s16;
	s14 =	sadd.s32 $0xB00, s16;
	[dreg:$0xf] =	wrdreg s4;
	v17 =	vsel vm10, $0x0, v16;
	v22 =	vsel vm4, $0x0, v16;
	v53 =	vsel vm7, $0x0, v16;
	v18, _, _ =	vpop (xrf0)  }
0xa1: {  	s12 =	sadd.s32 $0x8400, s16;
	[dreg:$0x5] =	wrdreg s14;
	s2 =	sadd.s32 $0x600, s16;
	v23 =	vsel vm5, $0x0, v14;
	v54 =	vsel vm8, $0x0, v16;
	(xrf0) =	vadd.scan.msk.s32 $0xffff, v53;
	(v2sf) =	vpush v19, $0xF;
	v19, _, _ =	vpop (xrf0)  }
0xa2: {  	s9 =	sadd.s32 $0x980, s16;
	s4 =	sadd.s32 $0x8900, s16;
	[dreg:$0xa] =	wrdreg s2;
	v56 =	vsel vm9, $0x0, v16;
	v15 =	vsel vm15, $0x0, v16;
	(xrf0) =	vadd.scan.msk.s32 $0xffff, v54;
	(v2sf) =	vpush v19, $0xF;
	v16, _, _ =	vpop (xrf0)  }
0xa3: {  	s2 =	sadd.s32 $0x8980, s16;
	s18 =	sadd.s32 $0x8480, s16;
	(xrf0) =	vadd.scan.msk.s32 $0xffff, v23;
	v19, _, _ =	vpop (xrf0);
	s15 =	spop (v2sf)  }
0xa4: {  	s19 =	sadd.s32 $0x10, s19;
	s20 =	sadd.s32 $0x10, s20;
	v20 =	vsel vm6, $0x0, v14;
	(xrf0) =	vadd.scan.msk.s32 $0xffff, v56;
	(v2sf) =	vpush v19, $0xF;
	s21 =	spop (v2sf)  }
0xa5: {  	v25 =	vsel vm7, $0x0, v14;
	(xrf0) =	vadd.scan.msk.s32 $0xffff, v20;
	s6 =	sshll.u32 s15, $0x4;
	s15 =	sadd.s32 $0x8800, s16;
	s13 =	sshll.u32 s21, $0x4  }
0xa6: {  	v19, _, _ =	vpop (xrf0);
	(xrf0) =	vadd.scan.msk.s32 $0xffff, v25;
	s23 =	sand.u32 $0x1FFFFFF0, s6;
	s22 =	spop (v2sf);
	s13 =	sand.u32 $0x1FFFFFF0, s13  }
0xa7: {  	v26 =	vsel vm8, $0x0, v14;
	(v2sf) =	vpush v19, $0xF;
	(xrf0) =	vadd.scan.msk.s32 $0xffff, v22;
	v19, _, _ =	vpop (xrf0);
	s6 =	sshll.u32 s22, $0x4;
	s24 =	spop (v2sf);
	s23 =	sadd.s32 s3, s23  }
0xa8: {  	v27 =	vsel vm9, $0x0, v14;
	(xrf0) =	vadd.scan.msk.s32 $0xffff, v26;
	v20, _, _ =	vpop (xrf0);
	s22 =	sand.u32 $0x1FFFFFF0, s6;
	s10 =	sshll.u32 s24, $0x4;
	s25 =	spop (v2sf)  }
0xa9: {  	v57, _, _ =	vpop (xrf0);
	(v2sf) =	vpush v19, $0xF;
	(xrf0) =	vadd.scan.msk.s32 $0xffff, v27;
	s13 =	sadd.s32 s3, s13;
	s6 =	sshll.u32 s25, $0x4;
	s26 =	spop (v2sf)  }
0xaa: {  	v28 =	vsel vm10, $0x0, v14;
	(v2sf) =	vpush v57, $0xF;
	[tilespmem:s8], [sflag:$0x1] =	stream.linear.gather [hbm4b:s13+s1], $0x80, $0x38;
	[tilespmem:$0x12600] =	vst v63  }
0xab: {  	v19, _, _ =	vpop (xrf0);
	(xrf0) =	vadd.scan.msk.s32 $0xffff, v28;
	s22 =	sadd.s32 s3, s22;
	s21 =	sshll.u32 s26, $0x4;
	s24 =	spop (v2sf)  }
0xac: {  	v58, _, _ =	vpop (xrf0);
	(v2sf) =	vpush v20, $0xF;
	(xrf0) =	vadd.scan.msk.s32 $0xffff, v17;
	s14 =	sand.u32 $0x1FFFFFF0, s6;
	s8 =	sshll.u32 s24, $0x4;
	s6 =	sand.u32 $0x1FFFFFF0, s21  }
0xad: {  	v17, _, _ =	vpop (xrf0);
	[tilespmem:s12], [sflag:$0x2] =	stream.linear.gather [hbm4b:s23+s1], $0x80, $0x38;
	[tilespmem:$0x12600] =	vst v63  }
0xae: {  	v20, _, _ =	vpop (xrf0);
	(v2sf) =	vpush v19, $0xF;
	s25 =	spop (v2sf);
	s24 =	sand.u32 $0x1FFFFFF0, s8;
	s6 =	sadd.s32 s3, s6  }
0xaf: {  	(v2sf) =	vpush v20, $0xF;
	[tilespmem:s11], [sflag:$0x1] =	stream.linear.gather [hbm4b:s22+s1], $0x80, $0x38;
	[tilespmem:$0x12600] =	vst v63  }
0xb0: {  	s13 =	sshll.u32 s25, $0x4;
	s26 =	spop (v2sf);
	s22 =	sadd.s32 $0x8680, s16  }
0xb1: {  	(v2sf) =	vpush v58, $0xF;
	s13 =	sand.u32 $0x1FFFFFF0, s13;
	s8 =	sshll.u32 s26, $0x4;
	s25 =	spop (v2sf)  }
0xb2: {  	s26 =	sadd.s32 s3, s13;
	s21 =	sand.u32 $0x1FFFFFF0, s8;
	s13 =	sshll.u32 s25, $0x4  }
0xb3: {  	s8 =	sand.u32 $0x1FFFFFF0, s10;
	s13 =	sand.u32 $0x1FFFFFF0, s13;
	s25 =	spop (v2sf)  }
0xb4: {  	[tilespmem:s18], [sflag:$0x2] =	stream.linear.gather [hbm4b:s26+s1], $0x80, $0x38;
	[tilespmem:$0x12600] =	vst v63  }
0xb5: {  	s26 =	smov.u32 s7;
	s7 =	sadd.s32 s3, s24;
	s10 =	sshll.u32 s25, $0x4  }
0xb6: {  	s21 =	sadd.s32 s3, s21;
	s25 =	spop (v2sf);
	s10 =	sand.u32 $0x1FFFFFF0, s10  }
0xb7: {  	[tilespmem:s29], [sflag:$0x1] =	stream.linear.gather [hbm4b:s7+s1], $0x80, $0x38;
	[tilespmem:$0x12600] =	vst v63  }
0xb8: {  	s7 =	sadd.s32 s3, s14;
	s29 =	rddreg [dreg:$0xd];
	s23 =	spop (v2sf)  }
0xb9: {  	s10 =	sadd.s32 s3, s10;
	s12 =	sshll.u32 s23, $0x4;
	s23 =	spop (v2sf)  }
0xba: {  	v59, _, _ =	vpop (xrf0);
	(v2sf) =	vpush v17, $0xF;
	[tilespmem:s29], [sflag:$0x2] =	stream.linear.gather [hbm4b:s7+s1], $0x80, $0x38;
	[tilespmem:$0x12600] =	vst v63  }
0xbb: {  	v20, _, _ =	vpop (xrf0);
	(v2sf) =	vpush v59, $0xF;
	s29 =	smov.u32 s5;
	s5 =	rddreg [dreg:$0xc];
	s28 =	spop (v2sf)  }
0xbc: {  	(v2sf) =	vpush v20, $0xF;
	[tilespmem:s5], [sflag:$0x1] =	stream.linear.gather [hbm4b:s10+s1], $0x80, $0x38;
	[tilespmem:$0x12600] =	vst v63  }
0xbd: {  	v29 =	vsel vm11, $0x0, v14;
	s25 =	sshll.u32 s25, $0x4;
	s11 =	sshll.u32 s28, $0x4;
	s28 =	spop (v2sf)  }
0xbe: {  	(xrf0) =	vadd.scan.msk.s32 $0xffff, v29;
	s25 =	sand.u32 $0x1FFFFFF0, s25;
	s5 =	rddreg [dreg:$0xb];
	s24 =	spop (v2sf)  }
0xbf: {  	v30 =	vsel vm12, $0x0, v14;
	[tilespmem:s5], [sflag:$0x2] =	stream.linear.gather [hbm4b:s6+s1], $0x80, $0x38;
	[tilespmem:$0x12600] =	vst v63  }
0xc0: {  	v31 =	vsel vm13, $0x0, v14;
	(xrf0) =	vadd.scan.msk.s32 $0xffff, v30;
	s23 =	sshll.u32 s23, $0x4;
	s14 =	sshll.u32 s28, $0x4;
	s18 =	spop (v2sf)  }
0xc1: {  	v47 =	vsel vm14, $0x0, v14;
	(xrf0) =	vadd.scan.msk.s32 $0xffff, v31;
	s28 =	rddreg [dreg:$0x10];
	s5 =	sshll.u32 s24, $0x4;
	s18 =	sshll.u32 s18, $0x4  }
0xc2: {  	(xrf0) =	vadd.scan.msk.s32 $0xffff, v47;
	s24 =	sadd.s32 s3, s25;
	s25 =	rddreg [dreg:$0xf];
	s10 =	sand.u32 $0x1FFFFFF0, s18  }
0xc3: {  	v60, _, _ =	vpop (xrf0);
	(xrf0) =	vadd.scan.msk.s32 $0xffff, v13;
	s18 =	sand.u32 $0x1FFFFFF0, s5;
	s5 =	rddreg [dreg:$0xa];
	s6 =	sadd.s32 s3, s10  }
0xc4: {  	v14 =	vsel vm15, $0x0, v14;
	[tilespmem:s5], [sflag:$0x1] =	stream.linear.gather [hbm4b:s24+s1], $0x80, $0x38;
	[tilespmem:$0x12600] =	vst v63  }
0xc5: {  	v61, _, _ =	vpop (xrf0);
	(xrf0) =	vadd.scan.msk.s32 $0xffff, v14;
	s10 =	sadd.s32 s3, s18;
	s18 =	sand.u32 $0x1FFFFFF0, s23;
	s5 =	rddreg [dreg:$0x11]  }
0xc6: {  	[tilespmem:s5], [sflag:$0x2] =	stream.linear.gather [hbm4b:s10+s1], $0x80, $0x38;
	[tilespmem:$0x12600] =	vst v63  }
0xc7: {  	v62, _, _ =	vpop (xrf0);
	(xrf0) =	vadd.scan.msk.s32 $0xffff, v15;
	s11 =	sand.u32 $0x1FFFFFF0, s11;
	s5 =	sadd.s32 s3, s18;
	s18 =	rddreg [dreg:$0xe]  }
0xc8: {  	v63, _, _ =	vpop (xrf0);
	(v2sf) =	vpush v60, $0xF;
	[tilespmem:s18], [sflag:$0x1] =	stream.linear.gather [hbm4b:s5+s1], $0x80, $0x38;
	[tilespmem:$0x12600] =	vst v63  }
.Ltmp0:
0xc9: {  	v19, _, _ =	vpop (xrf0);
	s7 =	sand.u32 $0x1FFFFFF0, s14;
	(v2sf) =	vpush v61, $0xF;
	s14 =	spop (v2sf);
	(pc) =	sbr.rel @p1 .LBB2_3-.Ltmp0, $4  }
0xca: {  	v17, _, _ =	vpop (xrf0);
	s24 =	rddreg [dreg:$0x9];
	(v2sf) =	vpush v18, $0xF;
	s14 =	sshll.u32 s14, $0x4;
	s23 =	spop (v2sf)  }
0xcb: {  	v15, _, _ =	vpop (xrf0);
	(v2sf) =	vpush v62, $0xF;
	s14 =	sand.u32 $0x1FFFFFF0, s14;
	s10 =	sshll.u32 s23, $0x4;
	s23 =	spop (v2sf)  }
0xcc: {  	v14, _, _ =	vpop (xrf0);
	(v2sf) =	vpush v16, $0xF;
	[tilespmem:s22], [sflag:$0x2] =	stream.linear.gather [hbm4b:s21+s1], $0x80, $0x38;
	[tilespmem:$0x12600] =	vst v63  }
0xcd: {  	v13, _, _ =	vpop (xrf0);
	s18 =	sand.u32 $0x1FFFFFF0, s10;
	s10 =	rddreg [dreg:$0x8];
	s5 =	sshll.u32 s23, $0x4;
	(v2sf) =	vpush v63, $0xF  }
0xce: {  	[tilespmem:s10], [sflag:$0x1] =	stream.linear.gather [hbm4b:s6+s1], $0x80, $0x38;
	[tilespmem:$0x12600] =	vst v63  }
0xcf: {  	s17 =	sadd.s32 s3, s13  }
0xd0: {  	[tilespmem:s0], [sflag:$0x2] =	stream.linear.gather [hbm4b:s17+s1], $0x80, $0x38;
	[tilespmem:$0x12600] =	vst v63  }
0xd1: {  	s19 =	sadd.s32 s3, s14;
	s20 =	sand.u32 $0x1FFFFFF0, s12  }
0xd2: {  	[tilespmem:s29], [sflag:$0x1] =	stream.linear.gather [hbm4b:s19+s1], $0x80, $0x38;
	[tilespmem:$0x12600] =	vst v63  }
0xd3: {  	s21 =	sadd.s32 $0x8780, s16;
	s0 =	sadd.s32 s3, s20  }
0xd4: {  	[tilespmem:s21], [sflag:$0x2] =	stream.linear.gather [hbm4b:s0+s1], $0x80, $0x38;
	[tilespmem:$0x12600] =	vst v63  }
0xd5: {  	s22 =	sadd.s32 s3, s18  }
0xd6: {  	[tilespmem:s28], [sflag:$0x1] =	stream.linear.gather [hbm4b:s22+s1], $0x80, $0x38;
	[tilespmem:$0x12600] =	vst v63  }
0xd7: {  	s23 =	sadd.s32 s3, s11;
	s28 =	sand.u32 $0x1FFFFFF0, s5  }
0xd8: {  	[tilespmem:s15], [sflag:$0x2] =	stream.linear.gather [hbm4b:s23+s1], $0x80, $0x38;
	[tilespmem:$0x12600] =	vst v63  }
0xd9: {  	s0 =	sadd.s32 s3, s28;
	s5 =	spop (v2sf)  }
0xda: {  	[tilespmem:s26], [sflag:$0x1] =	stream.linear.gather [hbm4b:s0+s1], $0x80, $0x38;
	[tilespmem:$0x12600] =	vst v63  }
0xdb: {  	s0 =	sshll.u32 s5, $0x4  }
0xdc: {  	s29 =	sadd.s32 s3, s7;
	s0 =	sand.u32 $0x1FFFFFF0, s0  }
0xdd: {  	[tilespmem:s25], [sflag:$0x2] =	stream.linear.gather [hbm4b:s29+s1], $0x80, $0x38;
	[tilespmem:$0x12600] =	vst v63  }
0xde: {  	(v2sf) =	vpush v19, $0xF;
	s6 =	spop (v2sf);
	s0 =	sadd.s32 s3, s0  }
0xdf: {  	[tilespmem:s24], [sflag:$0x1] =	stream.linear.gather [hbm4b:s0+s1], $0x80, $0x38;
	[tilespmem:$0x12600] =	vst v63  }
0xe0: {  	s0 =	sshll.u32 s6, $0x4  }
0xe1: {  	s7 =	spop (v2sf);
	s0 =	sand.u32 $0x1FFFFFF0, s0  }
0xe2: {  	s10 =	spop (v2sf);
	s0 =	sadd.s32 s3, s0  }
0xe3: {  	[tilespmem:s4], [sflag:$0x2] =	stream.linear.gather [hbm4b:s0+s1], $0x80, $0x38;
	[tilespmem:$0x12600] =	vst v63  }
0xe4: {  	s4 =	sshll.u32 s10, $0x4  }
0xe5: {  	(v2sf) =	vpush v17, $0xF;
	s12 =	spop (v2sf);
	s4 =	sand.u32 $0x1FFFFFF0, s4  }
0xe6: {  	s13 =	spop (v2sf);
	s4 =	sadd.s32 s3, s4  }
0xe7: {  	[tilespmem:s9], [sflag:$0x1] =	stream.linear.gather [hbm4b:s4+s1], $0x80, $0x38;
	[tilespmem:$0x12600] =	vst v63  }
0xe8: {  	s4 =	sshll.u32 s13, $0x4  }
0xe9: {  	s11 =	sadd.s32 s3, s8;
	(v2sf) =	vpush v15, $0xF;
	s0 =	sshll.u32 s7, $0x4;
	s4 =	sand.u32 $0x1FFFFFF0, s4  }
0xea: {  	[tilespmem:s2], [sflag:$0x2] =	stream.linear.gather [hbm4b:s11+s1], $0x80, $0x38;
	[tilespmem:$0x12600] =	vst v63  }
0xeb: {  	s0 =	sand.u32 $0x1FFFFFF0, s0;
	s4 =	sadd.s32 s3, s4  }
0xec: {  	[tilespmem:s31], [sflag:$0x1] =	stream.linear.gather [hbm4b:s4+s1], $0x80, $0x38;
	[tilespmem:$0x12600] =	vst v63  }
0xed: {  	s0 =	sadd.s32 s3, s0;
	s14 =	spop (v2sf)  }
0xee: {  	[tilespmem:s30], [sflag:$0x2] =	stream.linear.gather [hbm4b:s0+s1], $0x80, $0x38;
	[tilespmem:$0x12600] =	vst v63  }
0xef: {  	(v2sf) =	vpush v14, $0xF;
	s0 =	sshll.u32 s14, $0x4  }
0xf0: {  	s0 =	sand.u32 $0x1FFFFFF0, s0  }
0xf1: {  	s15 =	rddreg [dreg:$0x7];
	s17 =	sshll.u32 s12, $0x4;
	s0 =	sadd.s32 s3, s0  }
0xf2: {  	(v2sf) =	vpush v13, $0xF;
	[tilespmem:s15], [sflag:$0x1] =	stream.linear.gather [hbm4b:s0+s1], $0x80, $0x38;
	[tilespmem:$0x12600] =	vst v63  }
0xf3: {  	s0 =	sand.u32 $0x1FFFFFF0, s17  }
0xf4: {  	s18 =	rddreg [dreg:$0x6];
	s19 =	spop (v2sf);
	s0 =	sadd.s32 s3, s0  }
0xf5: {  	[tilespmem:s18], [sflag:$0x2] =	stream.linear.gather [hbm4b:s0+s1], $0x80, $0x38;
	[tilespmem:$0x12600] =	vst v63  }
0xf6: {  	s0 =	sshll.u32 s19, $0x4  }
0xf7: {  	s0 =	sand.u32 $0x1FFFFFF0, s0  }
0xf8: {  	s20 =	rddreg [dreg:$0x5];
	s21 =	spop (v2sf);
	s0 =	sadd.s32 s3, s0  }
0xf9: {  	[tilespmem:s20], [sflag:$0x1] =	stream.linear.gather [hbm4b:s0+s1], $0x80, $0x38;
	[tilespmem:$0x12600] =	vst v63  }
0xfa: {  	s0 =	sshll.u32 s21, $0x4  }
0xfb: {  	s0 =	sand.u32 $0x1FFFFFF0, s0  }
0xfc: {  	s22 =	sadd.s32 $0x8B00, s16;
	s0 =	sadd.s32 s3, s0  }
0xfd: {  	[tilespmem:s22], [sflag:$0x2] =	stream.linear.gather [hbm4b:s0+s1], $0x80, $0x38;
	[tilespmem:$0x12600] =	vst v63  }
0xfe: {  	s23 =	spop (v2sf)  }
0xff: {  	s0 =	sshll.u32 s23, $0x4  }
0x100: {  	s0 =	sand.u32 $0x1FFFFFF0, s0  }
0x101: {  	s24 =	sadd.s32 $0xB80, s16;
	s25 =	spop (v2sf);
	s0 =	sadd.s32 s3, s0  }
0x102: {  	[tilespmem:s24], [sflag:$0x1] =	stream.linear.gather [hbm4b:s0+s1], $0x80, $0x38;
	[tilespmem:$0x12600] =	vst v63  }
0x103: {  	s0 =	sshll.u32 s25, $0x4  }
0x104: {  	s0 =	sand.u32 $0x1FFFFFF0, s0  }
0x105: {  	s28 =	simm.s32 $0x1;
	s26 =	sadd.s32 $0x8B80, s16;
	s0 =	sadd.s32 s3, s0  }
0x106: {  	[tilespmem:s26], [sflag:$0x2] =	stream.linear.gather [hbm4b:s0+s1], $0x80, $0x38;
	[tilespmem:$0x12600] =	vst v63  }
0x107: {  	_ =	swait.ge [sflag:s28], $0x8000  }
0x108: {  	[sflag:s28] =	ssyncset.done $0x0  }
0x109: {  	s29 =	simm.s32 $0x2;
	[sflag:s28] =	ssyncadd.s32 $0xFFFF8000  }
0x10a: {  	_ =	swait.ge [sflag:s29], $0x8000  }
0x10b: {  	[sflag:s29] =	ssyncset.done $0x0  }
0x10c: {  	s30 =	simm.s32 $0x0;
	[sflag:s29] =	ssyncadd.s32 $0xFFFF8000  }
0x10d: {  	v13 =	vld [tilespmem:s30+$0x8400]  }
0x10e: {  	v14 =	vld [tilespmem:s30+$0x400]  }
0x10f: {  	v15 =	vld [tilespmem:s30+$0x410]  }
0x110: {  	v16 =	vld [tilespmem:s30+$0x8410]  }
0x111: {  	v17 =	vld [tilespmem:s30+$0x420]  }
0x112: {  	v18 =	vld [tilespmem:s30+$0x8420]  }
0x113: {  	v63 =	vld [tilespmem:s30+$0x430]  }
0x114: {  	v20 =	vld [tilespmem:s30+$0x8430]  }
0x115: {  	v13 =	vmul.f32 v13, v14;
	v14 =	vmul.f32 v16, v15;
	_ =	sdelay $0x1  }
0x116: {  	v13 =	vadd.f32 v14, v13;
	v14 =	vmul.f32 v18, v17;
	_ =	sdelay $0x1  }
0x117: {  	s31 =	rddreg [dreg:$0x17];
	v13 =	vadd.f32 v14, v13;
	v14 =	vmul.f32 v20, v63  }
0x118: {  	s0 =	sshll.u32 s31, $0x4  }
0x119: {  	s0 =	sand.u32 $0x3FFFFFF0, s0;
	v13 =	vadd.f32 v14, v13  }
0x11a: {  	s0 =	sadd.s32 $0x10400, s0  }
0x11b: {  	s4 =	simm.s32 $0x80;
	[tilespmem:s0+$0x0] =	vst v13  }
0x11c: {  	v13 =	vld [tilespmem:s4+$0x8400]  }
0x11d: {  	v14 =	vld [tilespmem:s4+$0x400]  }
0x11e: {  	s2 =	simm.s32 $0x400;
	v15 =	vld [tilespmem:s4+$0x410]  }
.LBB2_5:
0x11f: {  	p1 =	sne.s32 s2, $0x1FE00;
	v16 =	vld [tilespmem:s4+$0x8410]  }
0x120: {  	v17 =	vld [tilespmem:s4+$0x420]  }
0x121: {  	v18 =	vld [tilespmem:s4+$0x8420]  }
0x122: {  	v19 =	vld [tilespmem:s4+$0x430]  }
0x123: {  	v20 =	vld [tilespmem:s4+$0x8430]  }
0x124: {  	v13 =	vmul.f32 v13, v14;
	v14 =	vmul.f32 v16, v15;
	_ =	sdelay $0x1  }
0x125: {  	v13 =	vadd.f32 v14, v13;
	v14 =	vmul.f32 v18, v17;
	_ =	sdelay $0x1  }
0x126: {  	v13 =	vadd.f32 v14, v13;
	v14 =	vmul.f32 v20, v19;
	_ =	sdelay $0x1  }
0x127: {  	v13 =	vadd.f32 v14, v13  }
.Ltmp1:
0x128: {  	s0 =	sadd.s32 $0x10, s0;
	(pc) =	sbr.rel @p1 .LBB2_5-.Ltmp1, $4  }
0x129: {  	s4 =	sshra.s32 s2, $0x2;
	[tilespmem:s0+$0x0] =	vst v13  }
0x12a: {  	v13 =	vld [tilespmem:s4+$0x8400]  }
0x12b: {  	v14 =	vld [tilespmem:s4+$0x400]  }
0x12c: {  	s2 =	sadd.s32 $0x200, s2;
	v15 =	vld [tilespmem:s4+$0x410]  }
0x12d: {  	v16 =	vld [tilespmem:s4+$0x8410]  }
0x12e: {  	v17 =	vld [tilespmem:s4+$0x420]  }
0x12f: {  	v18 =	vld [tilespmem:s4+$0x8420]  }
0x130: {  	v19 =	vld [tilespmem:s4+$0x430]  }
0x131: {  	v20 =	vld [tilespmem:s4+$0x8430]  }
0x132: {  	v13 =	vmul.f32 v13, v14;
	v14 =	vmul.f32 v16, v15;
	_ =	sdelay $0x1  }
0x133: {  	v13 =	vadd.f32 v14, v13;
	v14 =	vmul.f32 v18, v17;
	_ =	sdelay $0x1  }
.Ltmp2:
0x134: {  	v13 =	vadd.f32 v14, v13;
	v14 =	vmul.f32 v20, v19;
	(pc) =	sbr.rel @p0 .LBB2_2-.Ltmp2, $4  }
0x135: {  	_ = 	snop  }
0x136: {  	v13 =	vadd.f32 v14, v13  }
0x137: {  	s0 =	sadd.s32 $0x10, s0;
	s2 =	simm.s32 $0x0  }
0x138: {  	s4 =	simm.s32 $0x100;
	p1 =	por $0x0, $0x0;
	[tilespmem:s0+$0x0] =	vst v13;
	s0 =	simm.s32 $0x12400  }
0x139: {  	v13 =	vor.u32 s2, v0;
	v14 =	vor.u32 s2, v2  }
0x13a: {  	v13 =	vand.u32 v1, v13;
	_ =	sdelay $0x1  }
0x13b: {  	v15 =	vor.u32 s2, v3  }
0x13c: {  	s5 =	simm.s32 $0x10400  }
0x13d: {  	v16 =	vor.u32 s2, v4;
	v14 =	vld.idx.msk [tilespmem:v14+s5+$0x0], $0xffff  }
0x13e: {  	v13 =	vld.idx.msk [tilespmem:v13+s5+$0x0], $0xffff  }
0x13f: {  	v17 =	vor.u32 s2, v5  }
0x140: {  	v15 =	vld.idx.msk [tilespmem:v15+s5+$0x0], $0xffff  }
0x141: {  	v18 =	vor.u32 s2, v6  }
0x142: {  	v16 =	vld.idx.msk [tilespmem:v16+s5+$0x0], $0xffff  }
0x143: {  	v19 =	vor.u32 s2, v7;
	v13 =	vadd.f32 v14, v13  }
0x144: {  	v14 =	vld.idx.msk [tilespmem:v17+s5+$0x0], $0xffff  }
0x145: {  	v17 =	vor.u32 s2, v8;
	v13 =	vadd.f32 v15, v13  }
0x146: {  	v15 =	vld.idx.msk [tilespmem:v18+s5+$0x0], $0xffff  }
0x147: {  	v18 =	vor.u32 s2, v9;
	v13 =	vadd.f32 v16, v13  }
0x148: {  	v16 =	vld.idx.msk [tilespmem:v19+s5+$0x0], $0xffff  }
0x149: {  	v19 =	vor.u32 s2, v10;
	v13 =	vadd.f32 v14, v13  }
0x14a: {  	v14 =	vld.idx.msk [tilespmem:v17+s5+$0x0], $0xffff  }
0x14b: {  	v17 =	vor.u32 s2, v11;
	v13 =	vadd.f32 v15, v13  }
0x14c: {  	v15 =	vld.idx.msk [tilespmem:v18+s5+$0x0], $0xffff  }
0x14d: {  	v18 =	vor.u32 s2, v12;
	v16 =	vadd.f32 v16, v13  }
0x14e: {  	v19 =	vld.idx.msk [tilespmem:v19+s5+$0x0], $0xffff;
	v13 =	vor.u32 $0xC, v0  }
0x14f: {  	v20 =	vor.u32 s2, v13;
	v16 =	vadd.f32 v14, v16  }
0x150: {  	v17 =	vld.idx.msk [tilespmem:v17+s5+$0x0], $0xffff;
	v14 =	vor.u32 $0xD, v0  }
0x151: {  	v21 =	vor.u32 s2, v14;
	v16 =	vadd.f32 v15, v16  }
0x152: {  	v18 =	vld.idx.msk [tilespmem:v18+s5+$0x0], $0xffff;
	v15 =	vor.u32 $0xE, v0  }
0x153: {  	v22 =	vor.u32 s2, v15;
	v19 =	vadd.f32 v19, v16  }
0x154: {  	v20 =	vld.idx.msk [tilespmem:v20+s5+$0x0], $0xffff;
	v16 =	vor.u32 $0xF, v0  }
0x155: {  	v23 =	vor.u32 s2, v16;
	v17 =	vadd.f32 v17, v19  }
0x156: {  	v19 =	vld.idx.msk [tilespmem:v21+s5+$0x0], $0xffff  }
0x157: {  	v17 =	vadd.f32 v18, v17  }
0x158: {  	v18 =	vld.idx.msk [tilespmem:v22+s5+$0x0], $0xffff  }
0x159: {  	v17 =	vadd.f32 v20, v17  }
0x15a: {  	v20 =	vld.idx.msk [tilespmem:v23+s5+$0x0], $0xffff  }
0x15b: {  	v17 =	vadd.f32 v19, v17  }
0x15c: {  	s31 =	simm.s32 $0x100  }
0x15d: {  	v21 =	vor.u32 s31, v2;
	v19 =	vor.u32 s31, v0;
	v17 =	vadd.f32 v18, v17  }
0x15e: {  	v18 =	vand.u32 v1, v19  }
0x15f: {  	v17 =	vadd.f32 v20, v17  }
0x160: {  	v19 =	vor.u32 s31, v3  }
0x161: {  	[tilespmem:s0+$0x0] =	vst v17  }
0x162: {  	v20 =	vor.u32 s31, v4;
	v17 =	vld.idx.msk [tilespmem:v21+s5+$0x0], $0xffff  }
0x163: {  	v18 =	vld.idx.msk [tilespmem:v18+s5+$0x0], $0xffff  }
0x164: {  	v21 =	vor.u32 s31, v5  }
0x165: {  	v19 =	vld.idx.msk [tilespmem:v19+s5+$0x0], $0xffff  }
0x166: {  	v22 =	vor.u32 s31, v6  }
0x167: {  	v20 =	vld.idx.msk [tilespmem:v20+s5+$0x0], $0xffff  }
0x168: {  	v23 =	vor.u32 s31, v7;
	v17 =	vadd.f32 v17, v18  }
0x169: {  	v18 =	vld.idx.msk [tilespmem:v21+s5+$0x0], $0xffff  }
0x16a: {  	v21 =	vor.u32 s31, v8;
	v17 =	vadd.f32 v19, v17  }
0x16b: {  	v19 =	vld.idx.msk [tilespmem:v22+s5+$0x0], $0xffff  }
0x16c: {  	v22 =	vor.u32 s31, v9;
	v17 =	vadd.f32 v20, v17  }
0x16d: {  	v20 =	vld.idx.msk [tilespmem:v23+s5+$0x0], $0xffff  }
0x16e: {  	v23 =	vor.u32 s31, v10;
	v17 =	vadd.f32 v18, v17  }
0x16f: {  	v18 =	vld.idx.msk [tilespmem:v21+s5+$0x0], $0xffff  }
0x170: {  	v21 =	vor.u32 s31, v11;
	v17 =	vadd.f32 v19, v17  }
0x171: {  	v19 =	vld.idx.msk [tilespmem:v22+s5+$0x0], $0xffff  }
0x172: {  	v22 =	vor.u32 s31, v12;
	v17 =	vadd.f32 v20, v17  }
0x173: {  	v20 =	vld.idx.msk [tilespmem:v23+s5+$0x0], $0xffff  }
0x174: {  	v17 =	vadd.f32 v18, v17  }
0x175: {  	v23 =	vor.u32 s31, v13;
	v18 =	vld.idx.msk [tilespmem:v21+s5+$0x0], $0xffff  }
0x176: {  	v17 =	vadd.f32 v19, v17  }
0x177: {  	v21 =	vor.u32 s31, v14;
	v19 =	vld.idx.msk [tilespmem:v22+s5+$0x0], $0xffff  }
0x178: {  	v17 =	vadd.f32 v20, v17;
	_ =	sdelay $0x1  }
0x179: {  	v22 =	vor.u32 s31, v15;
	v20 =	vld.idx.msk [tilespmem:v23+s5+$0x0], $0xffff;
	v17 =	vadd.f32 v18, v17;
	_ =	sdelay $0x1  }
0x17a: {  	v18 =	vld.idx.msk [tilespmem:v21+s5+$0x0], $0xffff;
	v17 =	vadd.f32 v19, v17;
	v19 =	vor.u32 s31, v16;
	_ =	sdelay $0x2  }
0x17b: {  	v21 =	vld.idx.msk [tilespmem:v22+s5+$0x0], $0xffff;
	v17 =	vadd.f32 v20, v17;
	_ =	sdelay $0x1  }
0x17c: {  	v20 =	vadd.f32 v18, v17;
	v18 =	vld.idx.msk [tilespmem:v19+s5+$0x0], $0xffff;
	_ =	sdelay $0x1  }
0x17d: {  	s2 =	simm.s32 $0x200  }
0x17e: {  	s4 =	simm.s32 $0x300;
	v17 =	vor.u32 s2, v2;
	v19 =	vor.u32 s2, v0;
	v20 =	vadd.f32 v21, v20  }
.LBB2_8:
0x17f: {  	p0 =	sne.s32 s4, $0x1F00;
	v19 =	vand.u32 v1, v19  }
0x180: {  	v18 =	vadd.f32 v18, v20  }
0x181: {  	s0 =	sadd.s32 $0x10, s0;
	v20 =	vor.u32 s2, v3  }
0x182: {  	[tilespmem:s0+$0x0] =	vst v18  }
0x183: {  	v18 =	vor.u32 s2, v4;
	v17 =	vld.idx.msk [tilespmem:v17+s5+$0x0], $0xffff  }
0x184: {  	v19 =	vld.idx.msk [tilespmem:v19+s5+$0x0], $0xffff  }
0x185: {  	v21 =	vor.u32 s2, v5  }
0x186: {  	v20 =	vld.idx.msk [tilespmem:v20+s5+$0x0], $0xffff  }
0x187: {  	v22 =	vor.u32 s2, v6  }
0x188: {  	v18 =	vld.idx.msk [tilespmem:v18+s5+$0x0], $0xffff  }
0x189: {  	v23 =	vor.u32 s2, v7  }
0x18a: {  	v17 =	vadd.f32 v17, v19;
	v19 =	vld.idx.msk [tilespmem:v21+s5+$0x0], $0xffff  }
0x18b: {  	v21 =	vor.u32 s2, v8  }
0x18c: {  	v17 =	vadd.f32 v20, v17;
	v20 =	vld.idx.msk [tilespmem:v22+s5+$0x0], $0xffff  }
0x18d: {  	v22 =	vor.u32 s2, v9  }
0x18e: {  	v17 =	vadd.f32 v18, v17;
	v18 =	vld.idx.msk [tilespmem:v23+s5+$0x0], $0xffff  }
0x18f: {  	v23 =	vor.u32 s2, v10  }
0x190: {  	v17 =	vadd.f32 v19, v17;
	v19 =	vld.idx.msk [tilespmem:v21+s5+$0x0], $0xffff  }
0x191: {  	v21 =	vor.u32 s2, v11  }
0x192: {  	v17 =	vadd.f32 v20, v17;
	v20 =	vld.idx.msk [tilespmem:v22+s5+$0x0], $0xffff  }
0x193: {  	v22 =	vor.u32 s2, v12  }
0x194: {  	v17 =	vadd.f32 v18, v17;
	v18 =	vld.idx.msk [tilespmem:v23+s5+$0x0], $0xffff  }
0x195: {  	v23 =	vor.u32 s2, v13  }
0x196: {  	v17 =	vadd.f32 v19, v17;
	v19 =	vld.idx.msk [tilespmem:v21+s5+$0x0], $0xffff  }
0x197: {  	v21 =	vor.u32 s2, v14  }
0x198: {  	v17 =	vadd.f32 v20, v17;
	v20 =	vld.idx.msk [tilespmem:v22+s5+$0x0], $0xffff  }
0x199: {  	v22 =	vor.u32 s2, v15  }
0x19a: {  	v17 =	vadd.f32 v18, v17;
	v18 =	vld.idx.msk [tilespmem:v23+s5+$0x0], $0xffff  }
0x19b: {  	v23 =	vor.u32 s2, v16;
	s2 =	smov.u32 s4  }
0x19c: {  	v17 =	vadd.f32 v19, v17;
	v19 =	vld.idx.msk [tilespmem:v21+s5+$0x0], $0xffff;
	_ =	sdelay $0x1  }
0x19d: {  	v17 =	vadd.f32 v20, v17;
	v20 =	vld.idx.msk [tilespmem:v22+s5+$0x0], $0xffff;
	_ =	sdelay $0x1  }
.Ltmp3:
0x19e: {  	v17 =	vadd.f32 v18, v17;
	v18 =	vld.idx.msk [tilespmem:v23+s5+$0x0], $0xffff;
	(pc) =	sbr.rel @p0 .LBB2_8-.Ltmp3, $3  }
0x19f: {  	_ = 	snop  }
0x1a0: {  	v21 =	vadd.f32 v19, v17;
	_ =	sdelay $0x1  }
0x1a1: {  	s4 =	sadd.s32 $0x100, s4;
	v19 =	vor.u32 s2, v0;
	v17 =	vor.u32 s2, v2;
	v20 =	vadd.f32 v20, v21  }
0x1a2: {  	v19 =	vand.u32 v1, v19  }
0x1a3: {  	v18 =	vadd.f32 v18, v20  }
0x1a4: {  	v49 =	vor.u32 s2, v3;
	s0 =	sadd.s32 $0x10, s0  }
0x1a5: {  	[tilespmem:s0+$0x0] =	vst v18  }
0x1a6: {  	v50 =	vor.u32 s2, v4;
	v17 =	vld.idx.msk [tilespmem:v17+s5+$0x0], $0xffff  }
0x1a7: {  	v19 =	vld.idx.msk [tilespmem:v19+s5+$0x0], $0xffff  }
0x1a8: {  	v21 =	vor.u32 s2, v5  }
0x1a9: {  	v20 =	vld.idx.msk [tilespmem:v49+s5+$0x0], $0xffff  }
0x1aa: {  	v22 =	vor.u32 s2, v6  }
0x1ab: {  	v18 =	vld.idx.msk [tilespmem:v50+s5+$0x0], $0xffff  }
0x1ac: {  	v23 =	vor.u32 s2, v7;
	v17 =	vadd.f32 v17, v19  }
0x1ad: {  	v51 =	vld.idx.msk [tilespmem:v21+s5+$0x0], $0xffff  }
0x1ae: {  	v52 =	vor.u32 s2, v8;
	v17 =	vadd.f32 v20, v17  }
0x1af: {  	v53 =	vld.idx.msk [tilespmem:v22+s5+$0x0], $0xffff  }
0x1b0: {  	v54 =	vor.u32 s2, v9;
	v17 =	vadd.f32 v18, v17  }
0x1b1: {  	v55 =	vld.idx.msk [tilespmem:v23+s5+$0x0], $0xffff  }
0x1b2: {  	v56 =	vor.u32 s2, v10;
	v17 =	vadd.f32 v51, v17  }
0x1b3: {  	v57 =	vld.idx.msk [tilespmem:v52+s5+$0x0], $0xffff  }
0x1b4: {  	v58 =	vor.u32 s2, v11;
	v17 =	vadd.f32 v53, v17  }
0x1b5: {  	v59 =	vld.idx.msk [tilespmem:v54+s5+$0x0], $0xffff  }
0x1b6: {  	v60 =	vor.u32 s2, v12;
	v17 =	vadd.f32 v55, v17  }
0x1b7: {  	v61 =	vld.idx.msk [tilespmem:v56+s5+$0x0], $0xffff  }
0x1b8: {  	v13 =	vor.u32 s2, v13;
	v17 =	vadd.f32 v57, v17  }
0x1b9: {  	v62 =	vld.idx.msk [tilespmem:v58+s5+$0x0], $0xffff  }
0x1ba: {  	v14 =	vor.u32 s2, v14;
	v17 =	vadd.f32 v59, v17  }
0x1bb: {  	v63 =	vld.idx.msk [tilespmem:v60+s5+$0x0], $0xffff  }
0x1bc: {  	v15 =	vor.u32 s2, v15;
	v17 =	vadd.f32 v61, v17  }
0x1bd: {  	v13 =	vld.idx.msk [tilespmem:v13+s5+$0x0], $0xffff  }
0x1be: {  	v16 =	vor.u32 s2, v16;
	v17 =	vadd.f32 v62, v17  }
0x1bf: {  	v14 =	vld.idx.msk [tilespmem:v14+s5+$0x0], $0xffff  }
0x1c0: {  	v17 =	vadd.f32 v63, v17  }
0x1c1: {  	v15 =	vld.idx.msk [tilespmem:v15+s5+$0x0], $0xffff  }
0x1c2: {  	v13 =	vadd.f32 v13, v17  }
0x1c3: {  	v16 =	vld.idx.msk [tilespmem:v16+s5+$0x0], $0xffff  }
0x1c4: {  	v13 =	vadd.f32 v14, v13;
	_ =	sdelay $0x1  }
0x1c5: {  	v13 =	vadd.f32 v15, v13;
	_ =	sdelay $0x1  }
0x1c6: {  	v13 =	vadd.f32 v16, v13  }
0x1c7: {  	s0 =	sadd.s32 $0x10, s0  }
0x1c8: {  	s29 =	rddreg [dreg:$0x14];
	s30 =	simm.s32 $0x12400;
	s2 =	simm.s32 $0x3;
	[tilespmem:s0+$0x0] =	vst v13  }
0x1c9: {  	[hbm4b:s29+s1] =	stream.linear.scatter [tilespmem:s30], [sflag:$0x3], $0x200, $0x38;
	[tilespmem:$0x12600] =	vst v63  }
0x1ca: {  	_ =	swait.ge [sflag:s2], $0x200  }
0x1cb: {  	s4 =	rddreg [dreg:$0x16]  }
0x1cc: {  	s31 =	rddreg [dreg:$0x15];
	s4 =	sadd.s32 $0x1, s4  }
0x1cd: {  	p0 =	sne.s32 s4, s31  }
.Ltmp4:
0x1ce: {  	_ = 	snop;
	(pc) =	sbr.rel @p0 .LBB2_1-.Ltmp4, $3  }
0x1cf: {  	_ =	sdelay $0x1  }
0x1d0: {  	[sflag:s2] =	ssyncset.done $0x0  }
0x1d1: {  	[sflag:s2] =	ssyncadd.s32 $0xFFFFFE00  }
0x1d2: {  	_ =	sfence.sel $0x180000  }
0x1d3: {  	[bflag:$0x0] =	sbarrier.arrive $0xFFFF  }
0x1d4: {  	_ =	strace $0x90000047  }
0x1d5: {  	s0 =	stileid.u32;
	[bflag:$0x2] =	sbarrier.arrive $0xFFFF  }
0x1d6: {  	p0 =	sne.s32 s0, $0x0;
	s0 =	rddreg [dreg:$0x4]  }
0x1d7: {  	s0 =	sadd.s32 @!p0 $0x100000, s0  }
0x1d8: {  	[sflag:s0] =	ssyncadd.tile.s32 @!p0 $0x1;
	_ =	shalt  }
.Lfunc_end2:
_tile_overlayer_lowered:
.L_overlay_start_2:
0x1d9: {  	(tag) =	ssettag $0x2  }
0x1da: {  	s0 =	rddreg [dreg:$0x0];
	s2 =	stileid.u32  }
0x1db: {  	s1 =	rddreg [dreg:$0x1];
	p0 =	sne.s32 s2, $0x0  }
0x1dc: {  	s3 =	rddreg [dreg:$0x2];
	[bflag:$0x3] =	sbarrier.arrive $0xFFFF;
	s2 =	simm.s32 @!p0 $0x1C03  }
0x1dd: {  	[timem:s3], [sflag:s2] =	dma.local @!p0 [hbm:s0], s1  }
0x1de: {  	s0 =	simm.s32 @!p0 $0x3  }
0x1df: {  	_ =	swait.ge @!p0 [sflag:s0], s1  }
0x1e0: {  	s1 =	ssub.s32 @!p0 $0x0, s1;
	[sflag:s0] =	ssyncset.done @!p0 $0x0  }
0x1e1: {  	[sflag:s0] =	ssyncadd.s32 @!p0 s1  }
0x1e2: {  	[bflag:$0x3] =	sbarrier.arrive $0xFFFF  }
0x1e3: {  	_ =	shalt  }

</sc_bundles>
